<compile_context>
chip_gen: v7x
topology: tpu7x:2x2x1
jax: 0.10.2.dev20260603
libtpu: 0.0.44.dev20260713+nightly
codegen_flags: <defaults>
</compile_context>

<pallas_src>
import functools
import math as _math

import jax
import jax.numpy as jnp
from jax import lax
from jax.experimental import pallas as pl
from jax.experimental.pallas import tpu as pltpu
from jax.experimental.pallas import tpu_sc as plsc

NUM_NETS = 50000
PINS_PER_NET = 4
NUM_PINS = NUM_NETS * PINS_PER_NET
NUM_MOVABLE = 90000
NUM_TERMINALS = 10000
NUM_NODES = NUM_MOVABLE + NUM_TERMINALS
NBX = 256
NBY = 256
XL, YL, XH, YH = 0.0, 0.0, 1.0, 1.0
ROUTING_H = 30000.0
ROUTING_V = 30000.0
MACRO_UTIL_H = 1e-4
MACRO_UTIL_V = 1e-4
EPS = 1e-8

BSX = (XH - XL) / NBX
BSY = (YH - YL) / NBY

NC = 2
NS = 16
NW = NC * NS
NETS_PER_W = 1664
NET_PAD = NW * NETS_PER_W
PINS_PER_W = NETS_PER_W * PINS_PER_NET

NET_BLK = NETS_PER_W
NUM_BLKS = NW
BLKS_PER_STEP = 16
NUM_STEPS = NUM_BLKS // BLKS_PER_STEP
MACRO_PAD = 384

_SIGMA = 16.0
_K0 = _math.exp(-0.5 * (1.0 / _SIGMA) ** 2)
_KSUM = 1.0 + 2.0 * _K0
K0 = _K0 / _KSUM
K1 = 1.0 / _KSUM

_sc_mesh = plsc.VectorSubcoreMesh(core_axis_name="c", subcore_axis_name="s")


@functools.partial(
    pl.kernel,
    mesh=_sc_mesh,
    compiler_params=pltpu.CompilerParams(needs_layout_passes=False),
    out_type=[
        jax.ShapeDtypeStruct((NW, PINS_PER_W), jnp.float32),
        jax.ShapeDtypeStruct((NW, PINS_PER_W), jnp.float32),
    ],
    scratch_types=[
        pltpu.VMEM((PINS_PER_W,), jnp.int32),
        pltpu.VMEM((PINS_PER_W,), jnp.float32),
        pltpu.VMEM((PINS_PER_W,), jnp.float32),
        pltpu.MemorySpace.VMEM_SHARED((NUM_PINS,), jnp.float32),
        pltpu.MemorySpace.VMEM_SHARED((NUM_PINS,), jnp.float32),
        pltpu.SemaphoreType.DMA,
        pltpu.SemaphoreType.DMA,
    ],
)
def _sc_gather(fnpx_hbm, pins_hbm, fx_hbm, fy_hbm,
               idx_x, gpx, gpy, pins_shx, pins_shy, semx, semy):
    wid = lax.axis_index("s") * NC + lax.axis_index("c")
    sid = lax.axis_index("s")

    pltpu.sync_copy(fnpx_hbm.at[wid], idx_x)

    @pl.when(sid == 0)
    def _():
        pltpu.sync_copy(pins_hbm.at[0], pins_shx)

    @pl.when(sid == 1)
    def _():
        pltpu.sync_copy(pins_hbm.at[1], pins_shy)
    plsc.subcore_barrier()

    cpx = pltpu.async_copy(pins_shx.at[idx_x], gpx, semx)
    cpy = pltpu.async_copy(pins_shy.at[idx_x], gpy, semy)
    cpx.wait()
    cpy.wait()

    pltpu.sync_copy(gpx, fx_hbm.at[wid])
    pltpu.sync_copy(gpy, fy_hbm.at[wid])


def _tc_body(fx_ref, fy_ref, wr_ref, mmx_ref, mmy_ref, out_ref,
             h_acc, v_acc):
    i = pl.program_id(0)

    bl_c = lax.broadcasted_iota(jnp.int32, (NBX, 1), 0).astype(jnp.float32) * BSX
    bh_c = bl_c + BSX
    dn_t = (((1,), (1,)), ((), ()))

    ha = None
    va = None
    for h in range(BLKS_PER_STEP):
        xs = fx_ref[h]
        ys = fy_ref[h]
        x_min = jnp.min(xs, axis=0, keepdims=True)
        x_max = jnp.max(xs, axis=0, keepdims=True)
        y_min = jnp.min(ys, axis=0, keepdims=True)
        y_max = jnp.max(ys, axis=0, keepdims=True)
        w_row = wr_ref[h]
        wv = w_row / (x_max - x_min + EPS)
        wh = w_row / (y_max - y_min + EPS)
        oxT = jnp.clip(jnp.minimum(x_max, bh_c) - jnp.maximum(x_min, bl_c),
                       0.0, None)
        oyT = jnp.clip(jnp.minimum(y_max, bh_c) - jnp.maximum(y_min, bl_c),
                       0.0, None)
        hb = lax.dot_general(oxT, oyT * wh, dn_t,
                             preferred_element_type=jnp.float32)
        vb = lax.dot_general(oxT * wv, oyT, dn_t,
                             preferred_element_type=jnp.float32)
        ha = hb if ha is None else ha + hb
        va = vb if va is None else va + vb

    @pl.when(i == 0)
    def _():
        h_acc[...] = ha
        v_acc[...] = va

    @pl.when(i > 0)
    def _():
        h_acc[...] += ha
        v_acc[...] += va

    @pl.when(i == NUM_STEPS - 1)
    def _():
        mmx = mmx_ref[...]
        mx = mmx[0:1, :]
        msx = mmx[1:2, :]
        area = mmx[2:3, :]
        valid = mmx[3:4, :]
        u = MACRO_UTIL_H * valid / area
        oxmT = jnp.clip(jnp.minimum(mx + msx, bh_c) - jnp.maximum(mx, bl_c),
                        0.0, None)
        mmy = mmy_ref[...]
        my = mmy[0:1, :]
        msy = mmy[1:2, :]
        oymT = jnp.clip(jnp.minimum(my + msy, bh_c) - jnp.maximum(my, bl_c),
                        0.0, None)
        demand = lax.dot_general(oxmT * u, oymT, dn_t,
                                 preferred_element_type=jnp.float32)
        cap = (ROUTING_H / (NBX * NBY)) - demand
        hu = h_acc[...] / cap
        vu = v_acc[...] / cap

        r = lax.broadcasted_iota(jnp.int32, (NBX, NBX), 0)
        c = lax.broadcasted_iota(jnp.int32, (NBX, NBX), 1)
        base = jnp.where(r == c, K1, 0.0) + jnp.where(jnp.abs(r - c) == 1,
                                                      K0, 0.0)
        b_mat = base + jnp.where((r == 0) & (c == 1), K0, 0.0) \
                     + jnp.where((r == NBX - 1) & (c == NBX - 2), K0, 0.0)
        bt_mat = base + jnp.where((r == 1) & (c == 0), K0, 0.0) \
                      + jnp.where((r == NBX - 2) & (c == NBX - 1), K0, 0.0)

        def blur(m):
            t = lax.dot_general(b_mat, m, (((1,), (0,)), ((), ())),
                                preferred_element_type=jnp.float32)
            return lax.dot_general(t, bt_mat, (((1,), (0,)), ((), ())),
                                   preferred_element_type=jnp.float32)

        out_ref[...] = jnp.maximum(jnp.abs(blur(hu)), jnp.abs(blur(vu)))


def _raster(fx, fy, w_row, mmx, mmy):
    return pl.pallas_call(
        _tc_body,
        grid=(NUM_STEPS,),
        in_specs=[
            pl.BlockSpec((BLKS_PER_STEP, 4, NET_BLK), lambda i: (i, 0, 0)),
            pl.BlockSpec((BLKS_PER_STEP, 4, NET_BLK), lambda i: (i, 0, 0)),
            pl.BlockSpec((BLKS_PER_STEP, 1, NET_BLK), lambda i: (i, 0, 0)),
            pl.BlockSpec((8, MACRO_PAD), lambda i: (0, 0)),
            pl.BlockSpec((8, MACRO_PAD), lambda i: (0, 0)),
        ],
        out_specs=pl.BlockSpec((NBX, NBY), lambda i: (0, 0)),
        out_shape=jax.ShapeDtypeStruct((NBX, NBY), jnp.float32),
        scratch_shapes=[
            pltpu.VMEM((NBX, NBY), jnp.float32),
            pltpu.VMEM((NBX, NBY), jnp.float32),
        ],
    )(fx, fy, w_row, mmx, mmy)


def kernel(pos, pin_pos, netpin_start, flat_netpin, net_weights,
           node_size_x, node_size_y, movable_macro_mask, fixed_macro_mask):
    pad_pins = NET_PAD * PINS_PER_NET - NUM_PINS
    fnp_pad = jnp.pad(flat_netpin, (0, pad_pins))
    fnp_xp = fnp_pad.reshape(NW, NETS_PER_W, PINS_PER_NET) \
                    .transpose(0, 2, 1).reshape(NW, PINS_PER_W)

    gx, gy = _sc_gather(fnp_xp, pin_pos.reshape(2, NUM_PINS))
    fx = gx.reshape(NW, PINS_PER_NET, NETS_PER_W)
    fy = gy.reshape(NW, PINS_PER_NET, NETS_PER_W)

    w_pad = jnp.pad(net_weights, (0, NET_PAD - NUM_NETS))
    w_row = w_pad.reshape(NW, 1, NETS_PER_W)

    mx = jnp.concatenate([pos[0:200], pos[NUM_MOVABLE:NUM_MOVABLE + 100]])
    my = jnp.concatenate([pos[NUM_NODES:NUM_NODES + 200],
                          pos[NUM_NODES + NUM_MOVABLE:
                              NUM_NODES + NUM_MOVABLE + 100]])
    msx = jnp.concatenate([node_size_x[0:200],
                           node_size_x[NUM_MOVABLE:NUM_MOVABLE + 100]])
    msy = jnp.concatenate([node_size_y[0:200],
                           node_size_y[NUM_MOVABLE:NUM_MOVABLE + 100]])
    valid = jnp.concatenate([movable_macro_mask[0:200],
                             fixed_macro_mask[0:100]]).astype(jnp.float32)
    nmac = 300
    padm = MACRO_PAD - nmac
    area = jnp.pad(msx * msy, (0, padm), constant_values=1.0)
    zrow = jnp.zeros((MACRO_PAD,), jnp.float32)
    mmx = jnp.stack([
        jnp.pad(mx, (0, padm)), jnp.pad(msx, (0, padm)), area,
        jnp.pad(valid, (0, padm)), zrow, zrow, zrow, zrow,
    ], axis=0)
    mmy = jnp.stack([jnp.pad(my, (0, padm)), jnp.pad(msy, (0, padm)),
                     zrow, zrow, zrow, zrow, zrow, zrow], axis=0)

    return _raster(fx, fy, w_row, mmx, mmy)

# --- scband reference (transcript-rebuilt; emitter-appended) ---
"""Pipeline reference for scband-rudy-with-macros-71519795413199 (READ-ONLY COPY).

The authoritative reference and input builder live on the scoring server;
editing this copy changes nothing except your own understanding.
"""

import jax, jax.numpy as jnp
import numpy as np

NUM_NETS = 50000
PINS_PER_NET = 4
NUM_PINS = NUM_NETS * PINS_PER_NET
NUM_MOVABLE = 90000
NUM_TERMINALS = 10000
NUM_NODES = NUM_MOVABLE + NUM_TERMINALS
NUM_BINS_X = 256
NUM_BINS_Y = 256
XL, YL, XH, YH = 0.0, 0.0, 1.0, 1.0
ROUTING_H = 30000.0
ROUTING_V = 30000.0
MACRO_UTIL_H = 1e-4
MACRO_UTIL_V = 1e-4
EPS = 1e-8


def setup_inputs(seed: int = 0) -> dict:
    key = jax.random.key(seed)
    ks = jax.random.split(key, 8)
    pos = jax.random.uniform(ks[0], (2 * NUM_NODES,), dtype=jnp.float32)
    pin_pos = jax.random.uniform(ks[1], (2 * NUM_PINS,), dtype=jnp.float32)
    netpin_start = jnp.arange(NUM_NETS + 1, dtype=jnp.int32) * PINS_PER_NET
    flat_netpin = jax.random.permutation(ks[2], jnp.arange(NUM_PINS, dtype=jnp.int32))
    net_weights = jax.random.uniform(ks[3], (NUM_NETS,), minval=0.5, maxval=1.5, dtype=jnp.float32)
    node_size_x = jax.random.uniform(ks[4], (NUM_NODES,), minval=0.002, maxval=0.01, dtype=jnp.float32)
    node_size_y = jax.random.uniform(ks[5], (NUM_NODES,), minval=0.002, maxval=0.01, dtype=jnp.float32)
    movable_macro_mask = jnp.arange(NUM_MOVABLE) < 200
    fixed_macro_mask = jnp.arange(NUM_TERMINALS) < 100
    return {
        'pos': pos,
        'pin_pos': pin_pos,
        'netpin_start': netpin_start,
        'flat_netpin': flat_netpin,
        'net_weights': net_weights,
        'node_size_x': node_size_x,
        'node_size_y': node_size_y,
        'movable_macro_mask': movable_macro_mask,
        'fixed_macro_mask': fixed_macro_mask,
    }


def _blur3(m, sigma):
    # torchvision GaussianBlur(kernel_size=3, sigma), reflect padding, separable
    x = jnp.array([-1.0, 0.0, 1.0], dtype=m.dtype)
    kern = jnp.exp(-0.5 * (x / sigma) ** 2)
    kern = kern / jnp.sum(kern)
    p = jnp.pad(m, ((1, 1), (0, 0)), mode='reflect')
    m = kern[0] * p[:-2] + kern[1] * p[1:-1] + kern[2] * p[2:]
    p = jnp.pad(m, ((0, 0), (1, 1)), mode='reflect')
    m = kern[0] * p[:, :-2] + kern[1] * p[:, 1:-1] + kern[2] * p[:, 2:]
    return m


def reference(pos, pin_pos, netpin_start, flat_netpin, net_weights,
              node_size_x, node_size_y, movable_macro_mask, fixed_macro_mask):
    bsx = (XH - XL) / NUM_BINS_X
    bsy = (YH - YL) / NUM_BINS_Y
    num_bins = NUM_BINS_X * NUM_BINS_Y
    cap_H = jnp.full((NUM_BINS_X, NUM_BINS_Y), ROUTING_H / num_bins, dtype=jnp.float32)
    cap_V = jnp.full_like(cap_H, ROUTING_V / num_bins)

    # ---- nets_forward: per-net bounding boxes via segment reductions over pins ----
    counts = netpin_start[1:] - netpin_start[:-1]
    net_ids = jnp.repeat(jnp.arange(NUM_NETS, dtype=jnp.int32), counts,
                         total_repeat_length=NUM_PINS)
    px = pin_pos[flat_netpin]
    py = pin_pos[NUM_PINS + flat_netpin]
    x_max = jax.ops.segment_max(px, net_ids, num_segments=NUM_NETS)
    x_min = jax.ops.segment_min(px, net_ids, num_segments=NUM_NETS)
    y_max = jax.ops.segment_max(py, net_ids, num_segments=NUM_NETS)
    y_min = jax.ops.segment_min(py, net_ids, num_segments=NUM_NETS)

    bxl = XL + jnp.arange(NUM_BINS_X, dtype=jnp.float32) * bsx
    bxh = bxl + bsx
    byl = YL + jnp.arange(NUM_BINS_Y, dtype=jnp.float32) * bsy
    byh = byl + bsy

    ox = jnp.clip(jnp.minimum(x_max[:, None], bxh[None, :]) -
                  jnp.maximum(x_min[:, None], bxl[None, :]), 0.0, None)
    oy = jnp.clip(jnp.minimum(y_max[:, None], byh[None, :]) -
                  jnp.maximum(y_min[:, None], byl[None, :]), 0.0, None)
    wh = net_weights / (y_max - y_min + EPS)
    wv = net_weights / (x_max - x_min + EPS)
    # separable overlap: H[b,c] = sum_n wh_n * ox[n,b] * oy[n,c]
    H = (ox * wh[:, None]).T @ oy
    V = (ox * wv[:, None]).T @ oy

    # ---- macros_forward: subtract macro routing blockage from capacity ----
    macro_idx = jnp.concatenate([
        jnp.where(movable_macro_mask, size=200)[0],
        NUM_MOVABLE + jnp.where(fixed_macro_mask, size=100)[0],
    ])
    mx = pos[macro_idx]
    my = pos[NUM_NODES + macro_idx]
    msx = node_size_x[macro_idx]
    msy = node_size_y[macro_idx]
    area = msx * msy
    uH = MACRO_UTIL_H / area
    uV = MACRO_UTIL_V / area
    oxm = jnp.clip(jnp.minimum((mx + msx)[:, None], bxh[None, :]) -
                   jnp.maximum(mx[:, None], bxl[None, :]), 0.0, None)
    oym = jnp.clip(jnp.minimum((my + msy)[:, None], byh[None, :]) -
                   jnp.maximum(my[:, None], byl[None, :]), 0.0, None)
    Hd = (oxm * uH[:, None]).T @ oym
    Vd = (oxm * uV[:, None]).T @ oym
    cap_H = cap_H - Hd
    cap_V = cap_V - Vd

    Hu = H / cap_H
    Vu = V / cap_V

    hsigma = (XH - XL) / bsx / 16.0
    vsigma = (YH - YL) / bsy / 16.0
    sigma = min(hsigma, vsigma)
    Hu = _blur3(Hu, sigma)
    Vu = _blur3(Vu, sigma)
    route_utilization_map = jnp.maximum(jnp.abs(Hu), jnp.abs(Vu))
    return route_utilization_map

if __name__ == "__main__":
    import jax
    _d = setup_inputs()
    print(jax.jit(kernel)(*tuple(_d.values())))

</pallas_src>

<mosaic_0001>
#map = affine_map<(d0, d1) -> (0, 0)>
module attributes {stable_mosaic.version = 14 : i64} {
  func.func @_sc_gather(%arg0: i32, %arg1: i32, %arg2: memref<32x6656xi32, #tpu.memory_space<hbm>>, %arg3: memref<2x200000xf32, #tpu.memory_space<hbm>>, %arg4: memref<32x6656xf32, #tpu.memory_space<hbm>>, %arg5: memref<32x6656xf32, #tpu.memory_space<hbm>>, %arg6: memref<6656xi32, #tpu.memory_space<vmem>>, %arg7: memref<6656xf32, #tpu.memory_space<vmem>>, %arg8: memref<6656xf32, #tpu.memory_space<vmem>>, %arg9: memref<200000xf32, #tpu.memory_space<vmem_shared>>, %arg10: memref<200000xf32, #tpu.memory_space<vmem_shared>>, %arg11: memref<!tpu.dma_semaphore, #tpu.memory_space<semaphore_mem>>, %arg12: memref<!tpu.dma_semaphore, #tpu.memory_space<semaphore_mem>>) attributes {dimension_semantics = [#tpu.dimension_semantics<core_parallel>, #tpu.dimension_semantics<subcore_parallel>], iteration_bounds = array<i64: 2, 16>, scalar_prefetch = 0 : i64, scratch_operands = 7 : i64, tpu.core_type = #tpu.core_type<sc_vector_subcore>, window_params = [{transform_indices = #map}, {transform_indices = #map}, {transform_indices = #map}, {transform_indices = #map}]} {
    %mul3A = arith.constant 2 : i32
    %mul3A_0 = arith.muli %arg1, %mul3A : i32
    %add3A = arith.addi %mul3A_0, %arg0 : i32
    "tpu.region"() ({
      %run_scoped3A = tpu.sem_alloc : memref<!tpu.dma_semaphore, #tpu.memory_space<semaphore_mem>>
      %dma_start3A_14 = arith.constant 0 : i32
      %dma_start3A_15 = tpu.memref_slice %arg2[%add3A, %dma_start3A_14] : memref<32x6656xi32, #tpu.memory_space<hbm>> -> memref<1x6656xi32, #tpu.memory_space<hbm>>
      %dma_start3A_16 = tpu.memref_squeeze %dma_start3A_15 : memref<1x6656xi32, #tpu.memory_space<hbm>> -> memref<6656xi32, #tpu.memory_space<hbm>>
      %dma_start3A_17 = arith.constant 0 : i32
      %dma_start3A_18 = tpu.memref_slice %arg2[%add3A, %dma_start3A_17] : memref<32x6656xi32, #tpu.memory_space<hbm>> -> memref<1x6656xi32, #tpu.memory_space<hbm>>
      %dma_start3A_19 = tpu.memref_squeeze %dma_start3A_18 : memref<1x6656xi32, #tpu.memory_space<hbm>> -> memref<6656xi32, #tpu.memory_space<hbm>>
      tpu.enqueue_dma source(%dma_start3A_19 : memref<6656xi32, #tpu.memory_space<hbm>>) target(%arg6 : memref<6656xi32, #tpu.memory_space<vmem>>) target_semaphore(%run_scoped3A : memref<!tpu.dma_semaphore, #tpu.memory_space<semaphore_mem>>)
      %dma_wait3A_20 = arith.constant 0 : i32
      %dma_wait3A_21 = tpu.memref_slice %arg2[%add3A, %dma_wait3A_20] : memref<32x6656xi32, #tpu.memory_space<hbm>> -> memref<1x6656xi32, #tpu.memory_space<hbm>>
      %dma_wait3A_22 = tpu.memref_squeeze %dma_wait3A_21 : memref<1x6656xi32, #tpu.memory_space<hbm>> -> memref<6656xi32, #tpu.memory_space<hbm>>
      %dma_wait3A_23 = arith.constant 0 : i32
      %dma_wait3A_24 = tpu.memref_slice %arg2[%add3A, %dma_wait3A_23] : memref<32x6656xi32, #tpu.memory_space<hbm>> -> memref<1x6656xi32, #tpu.memory_space<hbm>>
      %dma_wait3A_25 = tpu.memref_squeeze %dma_wait3A_24 : memref<1x6656xi32, #tpu.memory_space<hbm>> -> memref<6656xi32, #tpu.memory_space<hbm>>
      tpu.wait_dma2 semaphore(%run_scoped3A : memref<!tpu.dma_semaphore, #tpu.memory_space<semaphore_mem>>) src(%dma_wait3A_25 : memref<6656xi32, #tpu.memory_space<hbm>>) dst(%arg6 : memref<6656xi32, #tpu.memory_space<vmem>>)
      tpu.yield
    }) : () -> ()
    %eq3A = arith.constant 0 : i32
    %eq3A_1 = arith.cmpi eq, %arg1, %eq3A : i32
    %convert_element_type3A = arith.extui %eq3A_1 : i1 to i32
    %cond3A = arith.constant 0 : i32
    %cond3A_2 = arith.cmpi ne, %convert_element_type3A, %cond3A : i32
    scf.if %cond3A_2 {
      %run_scoped3A = arith.constant 0 : i32
      "tpu.region"() ({
        %run_scoped3A_14 = tpu.sem_alloc : memref<!tpu.dma_semaphore, #tpu.memory_space<semaphore_mem>>
        %dma_start3A_15 = arith.constant 0 : i32
        %dma_start3A_16 = tpu.memref_slice %arg3[%run_scoped3A, %dma_start3A_15] : memref<2x200000xf32, #tpu.memory_space<hbm>> -> memref<1x200000xf32, #tpu.memory_space<hbm>>
        %dma_start3A_17 = tpu.memref_squeeze %dma_start3A_16 : memref<1x200000xf32, #tpu.memory_space<hbm>> -> memref<200000xf32, #tpu.memory_space<hbm>>
        tpu.enqueue_dma source(%dma_start3A_17 : memref<200000xf32, #tpu.memory_space<hbm>>) target(%arg9 : memref<200000xf32, #tpu.memory_space<vmem_shared>>) target_semaphore(%run_scoped3A_14 : memref<!tpu.dma_semaphore, #tpu.memory_space<semaphore_mem>>)
        %dma_wait3A_18 = arith.constant 0 : i32
        %dma_wait3A_19 = tpu.memref_slice %arg3[%run_scoped3A, %dma_wait3A_18] : memref<2x200000xf32, #tpu.memory_space<hbm>> -> memref<1x200000xf32, #tpu.memory_space<hbm>>
        %dma_wait3A_20 = tpu.memref_squeeze %dma_wait3A_19 : memref<1x200000xf32, #tpu.memory_space<hbm>> -> memref<200000xf32, #tpu.memory_space<hbm>>
        tpu.wait_dma2 semaphore(%run_scoped3A_14 : memref<!tpu.dma_semaphore, #tpu.memory_space<semaphore_mem>>) src(%dma_wait3A_20 : memref<200000xf32, #tpu.memory_space<hbm>>) dst(%arg9 : memref<200000xf32, #tpu.memory_space<vmem_shared>>)
        tpu.yield
      }) : () -> ()
    } else {
    }
    %eq3A_3 = arith.constant 1 : i32
    %eq3A_4 = arith.cmpi eq, %arg1, %eq3A_3 : i32
    %convert_element_type3A_5 = arith.extui %eq3A_4 : i1 to i32
    %cond3A_6 = arith.constant 0 : i32
    %cond3A_7 = arith.cmpi ne, %convert_element_type3A_5, %cond3A_6 : i32
    scf.if %cond3A_7 {
      %run_scoped3A = arith.constant 1 : i32
      "tpu.region"() ({
        %run_scoped3A_14 = tpu.sem_alloc : memref<!tpu.dma_semaphore, #tpu.memory_space<semaphore_mem>>
        %dma_start3A_15 = arith.constant 0 : i32
        %dma_start3A_16 = tpu.memref_slice %arg3[%run_scoped3A, %dma_start3A_15] : memref<2x200000xf32, #tpu.memory_space<hbm>> -> memref<1x200000xf32, #tpu.memory_space<hbm>>
        %dma_start3A_17 = tpu.memref_squeeze %dma_start3A_16 : memref<1x200000xf32, #tpu.memory_space<hbm>> -> memref<200000xf32, #tpu.memory_space<hbm>>
        tpu.enqueue_dma source(%dma_start3A_17 : memref<200000xf32, #tpu.memory_space<hbm>>) target(%arg10 : memref<200000xf32, #tpu.memory_space<vmem_shared>>) target_semaphore(%run_scoped3A_14 : memref<!tpu.dma_semaphore, #tpu.memory_space<semaphore_mem>>)
        %dma_wait3A_18 = arith.constant 0 : i32
        %dma_wait3A_19 = tpu.memref_slice %arg3[%run_scoped3A, %dma_wait3A_18] : memref<2x200000xf32, #tpu.memory_space<hbm>> -> memref<1x200000xf32, #tpu.memory_space<hbm>>
        %dma_wait3A_20 = tpu.memref_squeeze %dma_wait3A_19 : memref<1x200000xf32, #tpu.memory_space<hbm>> -> memref<200000xf32, #tpu.memory_space<hbm>>
        tpu.wait_dma2 semaphore(%run_scoped3A_14 : memref<!tpu.dma_semaphore, #tpu.memory_space<semaphore_mem>>) src(%dma_wait3A_20 : memref<200000xf32, #tpu.memory_space<hbm>>) dst(%arg10 : memref<200000xf32, #tpu.memory_space<vmem_shared>>)
        tpu.yield
      }) : () -> ()
    } else {
    }
    %barrier3A = arith.constant 0 : index
    tpu.barrier barrier_id(%barrier3A)
    %dma_start3A = arith.constant 0 : i32
    %dma_start3A_8 = tpu.memref_slice %arg9[%dma_start3A] : memref<200000xf32, #tpu.memory_space<vmem_shared>> -> memref<200000xf32, #tpu.memory_space<vmem_shared>>
    tpu.enqueue_indirect_dma source(%dma_start3A_8 : memref<200000xf32, #tpu.memory_space<vmem_shared>>) target(%arg7 : memref<6656xf32, #tpu.memory_space<vmem>>) offsets(%arg6 : memref<6656xi32, #tpu.memory_space<vmem>>) semaphore(%arg11 : memref<!tpu.dma_semaphore, #tpu.memory_space<semaphore_mem>>)
    %dma_start3A_9 = arith.constant 0 : i32
    %dma_start3A_10 = tpu.memref_slice %arg10[%dma_start3A_9] : memref<200000xf32, #tpu.memory_space<vmem_shared>> -> memref<200000xf32, #tpu.memory_space<vmem_shared>>
    tpu.enqueue_indirect_dma source(%dma_start3A_10 : memref<200000xf32, #tpu.memory_space<vmem_shared>>) target(%arg8 : memref<6656xf32, #tpu.memory_space<vmem>>) offsets(%arg6 : memref<6656xi32, #tpu.memory_space<vmem>>) semaphore(%arg12 : memref<!tpu.dma_semaphore, #tpu.memory_space<semaphore_mem>>)
    %dma_wait3A = arith.constant 0 : i32
    %dma_wait3A_11 = tpu.memref_slice %arg9[%dma_wait3A] : memref<200000xf32, #tpu.memory_space<vmem_shared>> -> memref<200000xf32, #tpu.memory_space<vmem_shared>>
    tpu.wait_indirect_dma semaphore(%arg11 : memref<!tpu.dma_semaphore, #tpu.memory_space<semaphore_mem>>) src(%dma_wait3A_11 : memref<200000xf32, #tpu.memory_space<vmem_shared>>) dst(%arg7 : memref<6656xf32, #tpu.memory_space<vmem>>)
    %dma_wait3A_12 = arith.constant 0 : i32
    %dma_wait3A_13 = tpu.memref_slice %arg10[%dma_wait3A_12] : memref<200000xf32, #tpu.memory_space<vmem_shared>> -> memref<200000xf32, #tpu.memory_space<vmem_shared>>
    tpu.wait_indirect_dma semaphore(%arg12 : memref<!tpu.dma_semaphore, #tpu.memory_space<semaphore_mem>>) src(%dma_wait3A_13 : memref<200000xf32, #tpu.memory_space<vmem_shared>>) dst(%arg8 : memref<6656xf32, #tpu.memory_space<vmem>>)
    "tpu.region"() ({
      %run_scoped3A = tpu.sem_alloc : memref<!tpu.dma_semaphore, #tpu.memory_space<semaphore_mem>>
      %dma_start3A_14 = arith.constant 0 : i32
      %dma_start3A_15 = tpu.memref_slice %arg4[%add3A, %dma_start3A_14] : memref<32x6656xf32, #tpu.memory_space<hbm>> -> memref<1x6656xf32, #tpu.memory_space<hbm>>
      %dma_start3A_16 = tpu.memref_squeeze %dma_start3A_15 : memref<1x6656xf32, #tpu.memory_space<hbm>> -> memref<6656xf32, #tpu.memory_space<hbm>>
      %dma_start3A_17 = arith.constant 0 : i32
      %dma_start3A_18 = tpu.memref_slice %arg4[%add3A, %dma_start3A_17] : memref<32x6656xf32, #tpu.memory_space<hbm>> -> memref<1x6656xf32, #tpu.memory_space<hbm>>
      %dma_start3A_19 = tpu.memref_squeeze %dma_start3A_18 : memref<1x6656xf32, #tpu.memory_space<hbm>> -> memref<6656xf32, #tpu.memory_space<hbm>>
      tpu.enqueue_dma source(%arg7 : memref<6656xf32, #tpu.memory_space<vmem>>) target(%dma_start3A_19 : memref<6656xf32, #tpu.memory_space<hbm>>) target_semaphore(%run_scoped3A : memref<!tpu.dma_semaphore, #tpu.memory_space<semaphore_mem>>)
      %dma_wait3A_20 = arith.constant 0 : i32
      %dma_wait3A_21 = tpu.memref_slice %arg4[%add3A, %dma_wait3A_20] : memref<32x6656xf32, #tpu.memory_space<hbm>> -> memref<1x6656xf32, #tpu.memory_space<hbm>>
      %dma_wait3A_22 = tpu.memref_squeeze %dma_wait3A_21 : memref<1x6656xf32, #tpu.memory_space<hbm>> -> memref<6656xf32, #tpu.memory_space<hbm>>
      %dma_wait3A_23 = arith.constant 0 : i32
      %dma_wait3A_24 = tpu.memref_slice %arg4[%add3A, %dma_wait3A_23] : memref<32x6656xf32, #tpu.memory_space<hbm>> -> memref<1x6656xf32, #tpu.memory_space<hbm>>
      %dma_wait3A_25 = tpu.memref_squeeze %dma_wait3A_24 : memref<1x6656xf32, #tpu.memory_space<hbm>> -> memref<6656xf32, #tpu.memory_space<hbm>>
      tpu.wait_dma2 semaphore(%run_scoped3A : memref<!tpu.dma_semaphore, #tpu.memory_space<semaphore_mem>>) src(%arg7 : memref<6656xf32, #tpu.memory_space<vmem>>) dst(%dma_wait3A_25 : memref<6656xf32, #tpu.memory_space<hbm>>)
      tpu.yield
    }) : () -> ()
    "tpu.region"() ({
      %run_scoped3A = tpu.sem_alloc : memref<!tpu.dma_semaphore, #tpu.memory_space<semaphore_mem>>
      %dma_start3A_14 = arith.constant 0 : i32
      %dma_start3A_15 = tpu.memref_slice %arg5[%add3A, %dma_start3A_14] : memref<32x6656xf32, #tpu.memory_space<hbm>> -> memref<1x6656xf32, #tpu.memory_space<hbm>>
      %dma_start3A_16 = tpu.memref_squeeze %dma_start3A_15 : memref<1x6656xf32, #tpu.memory_space<hbm>> -> memref<6656xf32, #tpu.memory_space<hbm>>
      %dma_start3A_17 = arith.constant 0 : i32
      %dma_start3A_18 = tpu.memref_slice %arg5[%add3A, %dma_start3A_17] : memref<32x6656xf32, #tpu.memory_space<hbm>> -> memref<1x6656xf32, #tpu.memory_space<hbm>>
      %dma_start3A_19 = tpu.memref_squeeze %dma_start3A_18 : memref<1x6656xf32, #tpu.memory_space<hbm>> -> memref<6656xf32, #tpu.memory_space<hbm>>
      tpu.enqueue_dma source(%arg8 : memref<6656xf32, #tpu.memory_space<vmem>>) target(%dma_start3A_19 : memref<6656xf32, #tpu.memory_space<hbm>>) target_semaphore(%run_scoped3A : memref<!tpu.dma_semaphore, #tpu.memory_space<semaphore_mem>>)
      %dma_wait3A_20 = arith.constant 0 : i32
      %dma_wait3A_21 = tpu.memref_slice %arg5[%add3A, %dma_wait3A_20] : memref<32x6656xf32, #tpu.memory_space<hbm>> -> memref<1x6656xf32, #tpu.memory_space<hbm>>
      %dma_wait3A_22 = tpu.memref_squeeze %dma_wait3A_21 : memref<1x6656xf32, #tpu.memory_space<hbm>> -> memref<6656xf32, #tpu.memory_space<hbm>>
      %dma_wait3A_23 = arith.constant 0 : i32
      %dma_wait3A_24 = tpu.memref_slice %arg5[%add3A, %dma_wait3A_23] : memref<32x6656xf32, #tpu.memory_space<hbm>> -> memref<1x6656xf32, #tpu.memory_space<hbm>>
      %dma_wait3A_25 = tpu.memref_squeeze %dma_wait3A_24 : memref<1x6656xf32, #tpu.memory_space<hbm>> -> memref<6656xf32, #tpu.memory_space<hbm>>
      tpu.wait_dma2 semaphore(%run_scoped3A : memref<!tpu.dma_semaphore, #tpu.memory_space<semaphore_mem>>) src(%arg8 : memref<6656xf32, #tpu.memory_space<vmem>>) dst(%dma_wait3A_25 : memref<6656xf32, #tpu.memory_space<hbm>>)
      tpu.yield
    }) : () -> ()
    return
  }
}

module attributes {stable_mosaic.version = 14 : i64} {
  func.func @_tc_body(%arg0: i32, %arg1: memref<16x4x1664xf32, #tpu.memory_space<vmem>>, %arg2: memref<16x4x1664xf32, #tpu.memory_space<vmem>>, %arg3: memref<16x1x1664xf32, #tpu.memory_space<vmem>>, %arg4: memref<8x384xf32, #tpu.memory_space<vmem>>, %arg5: memref<8x384xf32, #tpu.memory_space<vmem>>, %arg6: memref<256x256xf32, #tpu.memory_space<vmem>>, %arg7: memref<256x256xf32, #tpu.memory_space<vmem>>, %arg8: memref<256x256xf32, #tpu.memory_space<vmem>>) attributes {dimension_semantics = [#tpu.dimension_semantics<arbitrary>], iteration_bounds = array<i64: 2>, scalar_prefetch = 0 : i64, scratch_operands = 2 : i64, tpu.core_type = #tpu.core_type<tc>, window_params = [{transform_indices = @transform_0, window_bounds = array<i64: 16, 4, 1664>}, {transform_indices = @transform_1, window_bounds = array<i64: 16, 4, 1664>}, {transform_indices = @transform_2, window_bounds = array<i64: 16, 1, 1664>}, {pipeline_mode = #tpu.pipeline_mode<synchronous>, transform_indices = @transform_3, window_bounds = array<i64: 8, 384>}, {pipeline_mode = #tpu.pipeline_mode<synchronous>, transform_indices = @transform_4, window_bounds = array<i64: 8, 384>}, {pipeline_mode = #tpu.pipeline_mode<synchronous>, transform_indices = @transform_5, window_bounds = array<i64: 256, 256>}]} {
    %iota3A = tpu.iota {dimensions = array<i32: 0>} : vector<256x1xi32>
    %convert_element_type3A = arith.sitofp %iota3A : vector<256x1xi32> to vector<256x1xf32>
    %mul3A = arith.constant 3.906250e-03 : f32
    %mul3A_0 = vector.broadcast %mul3A : f32 to vector<256x1xf32>
    %mul3A_1 = arith.mulf %convert_element_type3A, %mul3A_0 : vector<256x1xf32>
    %add3A = arith.constant 3.906250e-03 : f32
    %add3A_2 = vector.broadcast %add3A : f32 to vector<256x1xf32>
    %add3A_3 = arith.addf %mul3A_1, %add3A_2 : vector<256x1xf32>
    %get3A = arith.constant 0 : index
    %get3A_4 = arith.constant 0 : index
    %get3A_5 = arith.constant 0 : index
    %get3A_6 = vector.load %arg1[%get3A, %get3A_4, %get3A_5] : memref<16x4x1664xf32, #tpu.memory_space<vmem>>, vector<1x4x1664xf32>
    %get3A_7 = vector.shape_cast %get3A_6 : vector<1x4x1664xf32> to vector<4x1664xf32>
    %get3A_8 = arith.constant 0 : index
    %get3A_9 = arith.constant 0 : index
    %get3A_10 = arith.constant 0 : index
    %get3A_11 = vector.load %arg2[%get3A_8, %get3A_9, %get3A_10] : memref<16x4x1664xf32, #tpu.memory_space<vmem>>, vector<1x4x1664xf32>
    %get3A_12 = vector.shape_cast %get3A_11 : vector<1x4x1664xf32> to vector<4x1664xf32>
    %reduce_min3A = arith.constant dense<0x7F800000> : vector<1664xf32>
    %reduce_min3A_13 = vector.multi_reduction <minimumf>, %get3A_7, %reduce_min3A [0] : vector<4x1664xf32> to vector<1664xf32>
    %broadcast_in_dim3A = vector.shape_cast %reduce_min3A_13 : vector<1664xf32> to vector<1x1664xf32>
    %reduce_max3A = arith.constant dense<0xFF800000> : vector<1664xf32>
    %reduce_max3A_14 = vector.multi_reduction <maximumf>, %get3A_7, %reduce_max3A [0] : vector<4x1664xf32> to vector<1664xf32>
    %broadcast_in_dim3A_15 = vector.shape_cast %reduce_max3A_14 : vector<1664xf32> to vector<1x1664xf32>
    %reduce_min3A_16 = arith.constant dense<0x7F800000> : vector<1664xf32>
    %reduce_min3A_17 = vector.multi_reduction <minimumf>, %get3A_12, %reduce_min3A_16 [0] : vector<4x1664xf32> to vector<1664xf32>
    %broadcast_in_dim3A_18 = vector.shape_cast %reduce_min3A_17 : vector<1664xf32> to vector<1x1664xf32>
    %reduce_max3A_19 = arith.constant dense<0xFF800000> : vector<1664xf32>
    %reduce_max3A_20 = vector.multi_reduction <maximumf>, %get3A_12, %reduce_max3A_19 [0] : vector<4x1664xf32> to vector<1664xf32>
    %broadcast_in_dim3A_21 = vector.shape_cast %reduce_max3A_20 : vector<1664xf32> to vector<1x1664xf32>
    %get3A_22 = arith.constant 0 : index
    %get3A_23 = arith.constant 0 : index
    %get3A_24 = arith.constant 0 : index
    %get3A_25 = vector.load %arg3[%get3A_22, %get3A_23, %get3A_24] : memref<16x1x1664xf32, #tpu.memory_space<vmem>>, vector<1x1x1664xf32>
    %get3A_26 = vector.shape_cast %get3A_25 : vector<1x1x1664xf32> to vector<1x1664xf32>
    %sub3A = arith.subf %broadcast_in_dim3A_15, %broadcast_in_dim3A : vector<1x1664xf32>
    %add3A_27 = arith.constant 9.99999993E-9 : f32
    %add3A_28 = vector.broadcast %add3A_27 : f32 to vector<1x1664xf32>
    %add3A_29 = arith.addf %sub3A, %add3A_28 : vector<1x1664xf32>
    %div3A = arith.divf %get3A_26, %add3A_29 : vector<1x1664xf32>
    %sub3A_30 = arith.subf %broadcast_in_dim3A_21, %broadcast_in_dim3A_18 : vector<1x1664xf32>
    %add3A_31 = arith.constant 9.99999993E-9 : f32
    %add3A_32 = vector.broadcast %add3A_31 : f32 to vector<1x1664xf32>
    %add3A_33 = arith.addf %sub3A_30, %add3A_32 : vector<1x1664xf32>
    %div3A_34 = arith.divf %get3A_26, %add3A_33 : vector<1x1664xf32>
    %min3A = vector.broadcast %broadcast_in_dim3A_15 : vector<1x1664xf32> to vector<256x1664xf32>
    %min3A_35 = vector.broadcast %add3A_3 : vector<256x1xf32> to vector<256x1664xf32>
    %min3A_36 = arith.minimumf %min3A, %min3A_35 : vector<256x1664xf32>
    %max3A = vector.broadcast %broadcast_in_dim3A : vector<1x1664xf32> to vector<256x1664xf32>
    %max3A_37 = vector.broadcast %mul3A_1 : vector<256x1xf32> to vector<256x1664xf32>
    %max3A_38 = arith.maximumf %max3A, %max3A_37 : vector<256x1664xf32>
    %sub3A_39 = arith.subf %min3A_36, %max3A_38 : vector<256x1664xf32>
    %jit3A = arith.constant 0.000000e+00 : f32
    %max3A_40 = vector.broadcast %jit3A : f32 to vector<256x1664xf32>
    %max3A_41 = arith.maximumf %max3A_40, %sub3A_39 : vector<256x1664xf32>
    %min3A_42 = vector.broadcast %broadcast_in_dim3A_21 : vector<1x1664xf32> to vector<256x1664xf32>
    %min3A_43 = vector.broadcast %add3A_3 : vector<256x1xf32> to vector<256x1664xf32>
    %min3A_44 = arith.minimumf %min3A_42, %min3A_43 : vector<256x1664xf32>
    %max3A_45 = vector.broadcast %broadcast_in_dim3A_18 : vector<1x1664xf32> to vector<256x1664xf32>
    %max3A_46 = vector.broadcast %mul3A_1 : vector<256x1xf32> to vector<256x1664xf32>
    %max3A_47 = arith.maximumf %max3A_45, %max3A_46 : vector<256x1664xf32>
    %sub3A_48 = arith.subf %min3A_44, %max3A_47 : vector<256x1664xf32>
    %jit3A_49 = arith.constant 0.000000e+00 : f32
    %max3A_50 = vector.broadcast %jit3A_49 : f32 to vector<256x1664xf32>
    %max3A_51 = arith.maximumf %max3A_50, %sub3A_48 : vector<256x1664xf32>
    %mul3A_52 = vector.broadcast %div3A_34 : vector<1x1664xf32> to vector<256x1664xf32>
    %mul3A_53 = arith.mulf %max3A_51, %mul3A_52 : vector<256x1664xf32>
    %dot_general3A = arith.constant dense<0.000000e+00> : vector<256x256xf32>
    %dot_general3A_54 = tpu.matmul %max3A_41, %mul3A_53, %dot_general3A {dimension_numbers = #tpu.dot_dimension_numbers<[1], [1], [0], [0], [0, 0, 1, 0], [], []>, transpose_lhs_hint = false} : vector<256x1664xf32>, vector<256x1664xf32>, vector<256x256xf32> -> vector<256x256xf32>
    %mul3A_55 = vector.broadcast %div3A : vector<1x1664xf32> to vector<256x1664xf32>
    %mul3A_56 = arith.mulf %max3A_41, %mul3A_55 : vector<256x1664xf32>
    %dot_general3A_57 = arith.constant dense<0.000000e+00> : vector<256x256xf32>
    %dot_general3A_58 = tpu.matmul %mul3A_56, %max3A_51, %dot_general3A_57 {dimension_numbers = #tpu.dot_dimension_numbers<[1], [1], [0], [0], [0, 0, 1, 0], [], []>, transpose_lhs_hint = false} : vector<256x1664xf32>, vector<256x1664xf32>, vector<256x256xf32> -> vector<256x256xf32>
    %get3A_59 = arith.constant 1 : index
    %get3A_60 = arith.constant 0 : index
    %get3A_61 = arith.constant 0 : index
    %get3A_62 = vector.load %arg1[%get3A_59, %get3A_60, %get3A_61] : memref<16x4x1664xf32, #tpu.memory_space<vmem>>, vector<1x4x1664xf32>
    %get3A_63 = vector.shape_cast %get3A_62 : vector<1x4x1664xf32> to vector<4x1664xf32>
    %get3A_64 = arith.constant 1 : index
    %get3A_65 = arith.constant 0 : index
    %get3A_66 = arith.constant 0 : index
    %get3A_67 = vector.load %arg2[%get3A_64, %get3A_65, %get3A_66] : memref<16x4x1664xf32, #tpu.memory_space<vmem>>, vector<1x4x1664xf32>
    %get3A_68 = vector.shape_cast %get3A_67 : vector<1x4x1664xf32> to vector<4x1664xf32>
    %reduce_min3A_69 = arith.constant dense<0x7F800000> : vector<1664xf32>
    %reduce_min3A_70 = vector.multi_reduction <minimumf>, %get3A_63, %reduce_min3A_69 [0] : vector<4x1664xf32> to vector<1664xf32>
    %broadcast_in_dim3A_71 = vector.shape_cast %reduce_min3A_70 : vector<1664xf32> to vector<1x1664xf32>
    %reduce_max3A_72 = arith.constant dense<0xFF800000> : vector<1664xf32>
    %reduce_max3A_73 = vector.multi_reduction <maximumf>, %get3A_63, %reduce_max3A_72 [0] : vector<4x1664xf32> to vector<1664xf32>
    %broadcast_in_dim3A_74 = vector.shape_cast %reduce_max3A_73 : vector<1664xf32> to vector<1x1664xf32>
    %reduce_min3A_75 = arith.constant dense<0x7F800000> : vector<1664xf32>
    %reduce_min3A_76 = vector.multi_reduction <minimumf>, %get3A_68, %reduce_min3A_75 [0] : vector<4x1664xf32> to vector<1664xf32>
    %broadcast_in_dim3A_77 = vector.shape_cast %reduce_min3A_76 : vector<1664xf32> to vector<1x1664xf32>
    %reduce_max3A_78 = arith.constant dense<0xFF800000> : vector<1664xf32>
    %reduce_max3A_79 = vector.multi_reduction <maximumf>, %get3A_68, %reduce_max3A_78 [0] : vector<4x1664xf32> to vector<1664xf32>
    %broadcast_in_dim3A_80 = vector.shape_cast %reduce_max3A_79 : vector<1664xf32> to vector<1x1664xf32>
    %get3A_81 = arith.constant 1 : index
    %get3A_82 = arith.constant 0 : index
    %get3A_83 = arith.constant 0 : index
    %get3A_84 = vector.load %arg3[%get3A_81, %get3A_82, %get3A_83] : memref<16x1x1664xf32, #tpu.memory_space<vmem>>, vector<1x1x1664xf32>
    %get3A_85 = vector.shape_cast %get3A_84 : vector<1x1x1664xf32> to vector<1x1664xf32>
    %sub3A_86 = arith.subf %broadcast_in_dim3A_74, %broadcast_in_dim3A_71 : vector<1x1664xf32>
    %add3A_87 = arith.constant 9.99999993E-9 : f32
    %add3A_88 = vector.broadcast %add3A_87 : f32 to vector<1x1664xf32>
    %add3A_89 = arith.addf %sub3A_86, %add3A_88 : vector<1x1664xf32>
    %div3A_90 = arith.divf %get3A_85, %add3A_89 : vector<1x1664xf32>
    %sub3A_91 = arith.subf %broadcast_in_dim3A_80, %broadcast_in_dim3A_77 : vector<1x1664xf32>
    %add3A_92 = arith.constant 9.99999993E-9 : f32
    %add3A_93 = vector.broadcast %add3A_92 : f32 to vector<1x1664xf32>
    %add3A_94 = arith.addf %sub3A_91, %add3A_93 : vector<1x1664xf32>
    %div3A_95 = arith.divf %get3A_85, %add3A_94 : vector<1x1664xf32>
    %min3A_96 = vector.broadcast %broadcast_in_dim3A_74 : vector<1x1664xf32> to vector<256x1664xf32>
    %min3A_97 = vector.broadcast %add3A_3 : vector<256x1xf32> to vector<256x1664xf32>
    %min3A_98 = arith.minimumf %min3A_96, %min3A_97 : vector<256x1664xf32>
    %max3A_99 = vector.broadcast %broadcast_in_dim3A_71 : vector<1x1664xf32> to vector<256x1664xf32>
    %max3A_100 = vector.broadcast %mul3A_1 : vector<256x1xf32> to vector<256x1664xf32>
    %max3A_101 = arith.maximumf %max3A_99, %max3A_100 : vector<256x1664xf32>
    %sub3A_102 = arith.subf %min3A_98, %max3A_101 : vector<256x1664xf32>
    %jit3A_103 = arith.constant 0.000000e+00 : f32
    %max3A_104 = vector.broadcast %jit3A_103 : f32 to vector<256x1664xf32>
    %max3A_105 = arith.maximumf %max3A_104, %sub3A_102 : vector<256x1664xf32>
    %min3A_106 = vector.broadcast %broadcast_in_dim3A_80 : vector<1x1664xf32> to vector<256x1664xf32>
    %min3A_107 = vector.broadcast %add3A_3 : vector<256x1xf32> to vector<256x1664xf32>
    %min3A_108 = arith.minimumf %min3A_106, %min3A_107 : vector<256x1664xf32>
    %max3A_109 = vector.broadcast %broadcast_in_dim3A_77 : vector<1x1664xf32> to vector<256x1664xf32>
    %max3A_110 = vector.broadcast %mul3A_1 : vector<256x1xf32> to vector<256x1664xf32>
    %max3A_111 = arith.maximumf %max3A_109, %max3A_110 : vector<256x1664xf32>
    %sub3A_112 = arith.subf %min3A_108, %max3A_111 : vector<256x1664xf32>
    %jit3A_113 = arith.constant 0.000000e+00 : f32
    %max3A_114 = vector.broadcast %jit3A_113 : f32 to vector<256x1664xf32>
    %max3A_115 = arith.maximumf %max3A_114, %sub3A_112 : vector<256x1664xf32>
    %mul3A_116 = vector.broadcast %div3A_95 : vector<1x1664xf32> to vector<256x1664xf32>
    %mul3A_117 = arith.mulf %max3A_115, %mul3A_116 : vector<256x1664xf32>
    %dot_general3A_118 = arith.constant dense<0.000000e+00> : vector<256x256xf32>
    %dot_general3A_119 = tpu.matmul %max3A_105, %mul3A_117, %dot_general3A_118 {dimension_numbers = #tpu.dot_dimension_numbers<[1], [1], [0], [0], [0, 0, 1, 0], [], []>, transpose_lhs_hint = false} : vector<256x1664xf32>, vector<256x1664xf32>, vector<256x256xf32> -> vector<256x256xf32>
    %mul3A_120 = vector.broadcast %div3A_90 : vector<1x1664xf32> to vector<256x1664xf32>
    %mul3A_121 = arith.mulf %max3A_105, %mul3A_120 : vector<256x1664xf32>
    %dot_general3A_122 = arith.constant dense<0.000000e+00> : vector<256x256xf32>
    %dot_general3A_123 = tpu.matmul %mul3A_121, %max3A_115, %dot_general3A_122 {dimension_numbers = #tpu.dot_dimension_numbers<[1], [1], [0], [0], [0, 0, 1, 0], [], []>, transpose_lhs_hint = false} : vector<256x1664xf32>, vector<256x1664xf32>, vector<256x256xf32> -> vector<256x256xf32>
    %add3A_124 = arith.addf %dot_general3A_54, %dot_general3A_119 : vector<256x256xf32>
    %add3A_125 = arith.addf %dot_general3A_58, %dot_general3A_123 : vector<256x256xf32>
    %get3A_126 = arith.constant 2 : index
    %get3A_127 = arith.constant 0 : index
    %get3A_128 = arith.constant 0 : index
    %get3A_129 = vector.load %arg1[%get3A_126, %get3A_127, %get3A_128] : memref<16x4x1664xf32, #tpu.memory_space<vmem>>, vector<1x4x1664xf32>
    %get3A_130 = vector.shape_cast %get3A_129 : vector<1x4x1664xf32> to vector<4x1664xf32>
    %get3A_131 = arith.constant 2 : index
    %get3A_132 = arith.constant 0 : index
    %get3A_133 = arith.constant 0 : index
    %get3A_134 = vector.load %arg2[%get3A_131, %get3A_132, %get3A_133] : memref<16x4x1664xf32, #tpu.memory_space<vmem>>, vector<1x4x1664xf32>
    %get3A_135 = vector.shape_cast %get3A_134 : vector<1x4x1664xf32> to vector<4x1664xf32>
    %reduce_min3A_136 = arith.constant dense<0x7F800000> : vector<1664xf32>
    %reduce_min3A_137 = vector.multi_reduction <minimumf>, %get3A_130, %reduce_min3A_136 [0] : vector<4x1664xf32> to vector<1664xf32>
    %broadcast_in_dim3A_138 = vector.shape_cast %reduce_min3A_137 : vector<1664xf32> to vector<1x1664xf32>
    %reduce_max3A_139 = arith.constant dense<0xFF800000> : vector<1664xf32>
    %reduce_max3A_140 = vector.multi_reduction <maximumf>, %get3A_130, %reduce_max3A_139 [0] : vector<4x1664xf32> to vector<1664xf32>
    %broadcast_in_dim3A_141 = vector.shape_cast %reduce_max3A_140 : vector<1664xf32> to vector<1x1664xf32>
    %reduce_min3A_142 = arith.constant dense<0x7F800000> : vector<1664xf32>
    %reduce_min3A_143 = vector.multi_reduction <minimumf>, %get3A_135, %reduce_min3A_142 [0] : vector<4x1664xf32> to vector<1664xf32>
    %broadcast_in_dim3A_144 = vector.shape_cast %reduce_min3A_143 : vector<1664xf32> to vector<1x1664xf32>
    %reduce_max3A_145 = arith.constant dense<0xFF800000> : vector<1664xf32>
    %reduce_max3A_146 = vector.multi_reduction <maximumf>, %get3A_135, %reduce_max3A_145 [0] : vector<4x1664xf32> to vector<1664xf32>
    %broadcast_in_dim3A_147 = vector.shape_cast %reduce_max3A_146 : vector<1664xf32> to vector<1x1664xf32>
    %get3A_148 = arith.constant 2 : index
    %get3A_149 = arith.constant 0 : index
    %get3A_150 = arith.constant 0 : index
    %get3A_151 = vector.load %arg3[%get3A_148, %get3A_149, %get3A_150] : memref<16x1x1664xf32, #tpu.memory_space<vmem>>, vector<1x1x1664xf32>
    %get3A_152 = vector.shape_cast %get3A_151 : vector<1x1x1664xf32> to vector<1x1664xf32>
    %sub3A_153 = arith.subf %broadcast_in_dim3A_141, %broadcast_in_dim3A_138 : vector<1x1664xf32>
    %add3A_154 = arith.constant 9.99999993E-9 : f32
    %add3A_155 = vector.broadcast %add3A_154 : f32 to vector<1x1664xf32>
    %add3A_156 = arith.addf %sub3A_153, %add3A_155 : vector<1x1664xf32>
    %div3A_157 = arith.divf %get3A_152, %add3A_156 : vector<1x1664xf32>
    %sub3A_158 = arith.subf %broadcast_in_dim3A_147, %broadcast_in_dim3A_144 : vector<1x1664xf32>
    %add3A_159 = arith.constant 9.99999993E-9 : f32
    %add3A_160 = vector.broadcast %add3A_159 : f32 to vector<1x1664xf32>
    %add3A_161 = arith.addf %sub3A_158, %add3A_160 : vector<1x1664xf32>
    %div3A_162 = arith.divf %get3A_152, %add3A_161 : vector<1x1664xf32>
    %min3A_163 = vector.broadcast %broadcast_in_dim3A_141 : vector<1x1664xf32> to vector<256x1664xf32>
    %min3A_164 = vector.broadcast %add3A_3 : vector<256x1xf32> to vector<256x1664xf32>
    %min3A_165 = arith.minimumf %min3A_163, %min3A_164 : vector<256x1664xf32>
    %max3A_166 = vector.broadcast %broadcast_in_dim3A_138 : vector<1x1664xf32> to vector<256x1664xf32>
    %max3A_167 = vector.broadcast %mul3A_1 : vector<256x1xf32> to vector<256x1664xf32>
    %max3A_168 = arith.maximumf %max3A_166, %max3A_167 : vector<256x1664xf32>
    %sub3A_169 = arith.subf %min3A_165, %max3A_168 : vector<256x1664xf32>
    %jit3A_170 = arith.constant 0.000000e+00 : f32
    %max3A_171 = vector.broadcast %jit3A_170 : f32 to vector<256x1664xf32>
    %max3A_172 = arith.maximumf %max3A_171, %sub3A_169 : vector<256x1664xf32>
    %min3A_173 = vector.broadcast %broadcast_in_dim3A_147 : vector<1x1664xf32> to vector<256x1664xf32>
    %min3A_174 = vector.broadcast %add3A_3 : vector<256x1xf32> to vector<256x1664xf32>
    %min3A_175 = arith.minimumf %min3A_173, %min3A_174 : vector<256x1664xf32>
    %max3A_176 = vector.broadcast %broadcast_in_dim3A_144 : vector<1x1664xf32> to vector<256x1664xf32>
    %max3A_177 = vector.broadcast %mul3A_1 : vector<256x1xf32> to vector<256x1664xf32>
    %max3A_178 = arith.maximumf %max3A_176, %max3A_177 : vector<256x1664xf32>
    %sub3A_179 = arith.subf %min3A_175, %max3A_178 : vector<256x1664xf32>
    %jit3A_180 = arith.constant 0.000000e+00 : f32
    %max3A_181 = vector.broadcast %jit3A_180 : f32 to vector<256x1664xf32>
    %max3A_182 = arith.maximumf %max3A_181, %sub3A_179 : vector<256x1664xf32>
    %mul3A_183 = vector.broadcast %div3A_162 : vector<1x1664xf32> to vector<256x1664xf32>
    %mul3A_184 = arith.mulf %max3A_182, %mul3A_183 : vector<256x1664xf32>
    %dot_general3A_185 = arith.constant dense<0.000000e+00> : vector<256x256xf32>
    %dot_general3A_186 = tpu.matmul %max3A_172, %mul3A_184, %dot_general3A_185 {dimension_numbers = #tpu.dot_dimension_numbers<[1], [1], [0], [0], [0, 0, 1, 0], [], []>, transpose_lhs_hint = false} : vector<256x1664xf32>, vector<256x1664xf32>, vector<256x256xf32> -> vector<256x256xf32>
    %mul3A_187 = vector.broadcast %div3A_157 : vector<1x1664xf32> to vector<256x1664xf32>
    %mul3A_188 = arith.mulf %max3A_172, %mul3A_187 : vector<256x1664xf32>
    %dot_general3A_189 = arith.constant dense<0.000000e+00> : vector<256x256xf32>
    %dot_general3A_190 = tpu.matmul %mul3A_188, %max3A_182, %dot_general3A_189 {dimension_numbers = #tpu.dot_dimension_numbers<[1], [1], [0], [0], [0, 0, 1, 0], [], []>, transpose_lhs_hint = false} : vector<256x1664xf32>, vector<256x1664xf32>, vector<256x256xf32> -> vector<256x256xf32>
    %add3A_191 = arith.addf %add3A_124, %dot_general3A_186 : vector<256x256xf32>
    %add3A_192 = arith.addf %add3A_125, %dot_general3A_190 : vector<256x256xf32>
    %get3A_193 = arith.constant 3 : index
    %get3A_194 = arith.constant 0 : index
    %get3A_195 = arith.constant 0 : index
    %get3A_196 = vector.load %arg1[%get3A_193, %get3A_194, %get3A_195] : memref<16x4x1664xf32, #tpu.memory_space<vmem>>, vector<1x4x1664xf32>
    %get3A_197 = vector.shape_cast %get3A_196 : vector<1x4x1664xf32> to vector<4x1664xf32>
    %get3A_198 = arith.constant 3 : index
    %get3A_199 = arith.constant 0 : index
    %get3A_200 = arith.constant 0 : index
    %get3A_201 = vector.load %arg2[%get3A_198, %get3A_199, %get3A_200] : memref<16x4x1664xf32, #tpu.memory_space<vmem>>, vector<1x4x1664xf32>
    %get3A_202 = vector.shape_cast %get3A_201 : vector<1x4x1664xf32> to vector<4x1664xf32>
    %reduce_min3A_203 = arith.constant dense<0x7F800000> : vector<1664xf32>
    %reduce_min3A_204 = vector.multi_reduction <minimumf>, %get3A_197, %reduce_min3A_203 [0] : vector<4x1664xf32> to vector<1664xf32>
    %broadcast_in_dim3A_205 = vector.shape_cast %reduce_min3A_204 : vector<1664xf32> to vector<1x1664xf32>
    %reduce_max3A_206 = arith.constant dense<0xFF800000> : vector<1664xf32>
    %reduce_max3A_207 = vector.multi_reduction <maximumf>, %get3A_197, %reduce_max3A_206 [0] : vector<4x1664xf32> to vector<1664xf32>
    %broadcast_in_dim3A_208 = vector.shape_cast %reduce_max3A_207 : vector<1664xf32> to vector<1x1664xf32>
    %reduce_min3A_209 = arith.constant dense<0x7F800000> : vector<1664xf32>
    %reduce_min3A_210 = vector.multi_reduction <minimumf>, %get3A_202, %reduce_min3A_209 [0] : vector<4x1664xf32> to vector<1664xf32>
    %broadcast_in_dim3A_211 = vector.shape_cast %reduce_min3A_210 : vector<1664xf32> to vector<1x1664xf32>
    %reduce_max3A_212 = arith.constant dense<0xFF800000> : vector<1664xf32>
    %reduce_max3A_213 = vector.multi_reduction <maximumf>, %get3A_202, %reduce_max3A_212 [0] : vector<4x1664xf32> to vector<1664xf32>
    %broadcast_in_dim3A_214 = vector.shape_cast %reduce_max3A_213 : vector<1664xf32> to vector<1x1664xf32>
    %get3A_215 = arith.constant 3 : index
    %get3A_216 = arith.constant 0 : index
    %get3A_217 = arith.constant 0 : index
    %get3A_218 = vector.load %arg3[%get3A_215, %get3A_216, %get3A_217] : memref<16x1x1664xf32, #tpu.memory_space<vmem>>, vector<1x1x1664xf32>
    %get3A_219 = vector.shape_cast %get3A_218 : vector<1x1x1664xf32> to vector<1x1664xf32>
    %sub3A_220 = arith.subf %broadcast_in_dim3A_208, %broadcast_in_dim3A_205 : vector<1x1664xf32>
    %add3A_221 = arith.constant 9.99999993E-9 : f32
    %add3A_222 = vector.broadcast %add3A_221 : f32 to vector<1x1664xf32>
    %add3A_223 = arith.addf %sub3A_220, %add3A_222 : vector<1x1664xf32>
    %div3A_224 = arith.divf %get3A_219, %add3A_223 : vector<1x1664xf32>
    %sub3A_225 = arith.subf %broadcast_in_dim3A_214, %broadcast_in_dim3A_211 : vector<1x1664xf32>
    %add3A_226 = arith.constant 9.99999993E-9 : f32
    %add3A_227 = vector.broadcast %add3A_226 : f32 to vector<1x1664xf32>
    %add3A_228 = arith.addf %sub3A_225, %add3A_227 : vector<1x1664xf32>
    %div3A_229 = arith.divf %get3A_219, %add3A_228 : vector<1x1664xf32>
    %min3A_230 = vector.broadcast %broadcast_in_dim3A_208 : vector<1x1664xf32> to vector<256x1664xf32>
    %min3A_231 = vector.broadcast %add3A_3 : vector<256x1xf32> to vector<256x1664xf32>
    %min3A_232 = arith.minimumf %min3A_230, %min3A_231 : vector<256x1664xf32>
    %max3A_233 = vector.broadcast %broadcast_in_dim3A_205 : vector<1x1664xf32> to vector<256x1664xf32>
    %max3A_234 = vector.broadcast %mul3A_1 : vector<256x1xf32> to vector<256x1664xf32>
    %max3A_235 = arith.maximumf %max3A_233, %max3A_234 : vector<256x1664xf32>
    %sub3A_236 = arith.subf %min3A_232, %max3A_235 : vector<256x1664xf32>
    %jit3A_237 = arith.constant 0.000000e+00 : f32
    %max3A_238 = vector.broadcast %jit3A_237 : f32 to vector<256x1664xf32>
    %max3A_239 = arith.maximumf %max3A_238, %sub3A_236 : vector<256x1664xf32>
    %min3A_240 = vector.broadcast %broadcast_in_dim3A_214 : vector<1x1664xf32> to vector<256x1664xf32>
    %min3A_241 = vector.broadcast %add3A_3 : vector<256x1xf32> to vector<256x1664xf32>
    %min3A_242 = arith.minimumf %min3A_240, %min3A_241 : vector<256x1664xf32>
    %max3A_243 = vector.broadcast %broadcast_in_dim3A_211 : vector<1x1664xf32> to vector<256x1664xf32>
    %max3A_244 = vector.broadcast %mul3A_1 : vector<256x1xf32> to vector<256x1664xf32>
    %max3A_245 = arith.maximumf %max3A_243, %max3A_244 : vector<256x1664xf32>
    %sub3A_246 = arith.subf %min3A_242, %max3A_245 : vector<256x1664xf32>
    %jit3A_247 = arith.constant 0.000000e+00 : f32
    %max3A_248 = vector.broadcast %jit3A_247 : f32 to vector<256x1664xf32>
    %max3A_249 = arith.maximumf %max3A_248, %sub3A_246 : vector<256x1664xf32>
    %mul3A_250 = vector.broadcast %div3A_229 : vector<1x1664xf32> to vector<256x1664xf32>
    %mul3A_251 = arith.mulf %max3A_249, %mul3A_250 : vector<256x1664xf32>
    %dot_general3A_252 = arith.constant dense<0.000000e+00> : vector<256x256xf32>
    %dot_general3A_253 = tpu.matmul %max3A_239, %mul3A_251, %dot_general3A_252 {dimension_numbers = #tpu.dot_dimension_numbers<[1], [1], [0], [0], [0, 0, 1, 0], [], []>, transpose_lhs_hint = false} : vector<256x1664xf32>, vector<256x1664xf32>, vector<256x256xf32> -> vector<256x256xf32>
    %mul3A_254 = vector.broadcast %div3A_224 : vector<1x1664xf32> to vector<256x1664xf32>
    %mul3A_255 = arith.mulf %max3A_239, %mul3A_254 : vector<256x1664xf32>
    %dot_general3A_256 = arith.constant dense<0.000000e+00> : vector<256x256xf32>
    %dot_general3A_257 = tpu.matmul %mul3A_255, %max3A_249, %dot_general3A_256 {dimension_numbers = #tpu.dot_dimension_numbers<[1], [1], [0], [0], [0, 0, 1, 0], [], []>, transpose_lhs_hint = false} : vector<256x1664xf32>, vector<256x1664xf32>, vector<256x256xf32> -> vector<256x256xf32>
    %add3A_258 = arith.addf %add3A_191, %dot_general3A_253 : vector<256x256xf32>
    %add3A_259 = arith.addf %add3A_192, %dot_general3A_257 : vector<256x256xf32>
    %get3A_260 = arith.constant 4 : index
    %get3A_261 = arith.constant 0 : index
    %get3A_262 = arith.constant 0 : index
    %get3A_263 = vector.load %arg1[%get3A_260, %get3A_261, %get3A_262] : memref<16x4x1664xf32, #tpu.memory_space<vmem>>, vector<1x4x1664xf32>
    %get3A_264 = vector.shape_cast %get3A_263 : vector<1x4x1664xf32> to vector<4x1664xf32>
    %get3A_265 = arith.constant 4 : index
    %get3A_266 = arith.constant 0 : index
    %get3A_267 = arith.constant 0 : index
    %get3A_268 = vector.load %arg2[%get3A_265, %get3A_266, %get3A_267] : memref<16x4x1664xf32, #tpu.memory_space<vmem>>, vector<1x4x1664xf32>
    %get3A_269 = vector.shape_cast %get3A_268 : vector<1x4x1664xf32> to vector<4x1664xf32>
    %reduce_min3A_270 = arith.constant dense<0x7F800000> : vector<1664xf32>
    %reduce_min3A_271 = vector.multi_reduction <minimumf>, %get3A_264, %reduce_min3A_270 [0] : vector<4x1664xf32> to vector<1664xf32>
    %broadcast_in_dim3A_272 = vector.shape_cast %reduce_min3A_271 : vector<1664xf32> to vector<1x1664xf32>
    %reduce_max3A_273 = arith.constant dense<0xFF800000> : vector<1664xf32>
    %reduce_max3A_274 = vector.multi_reduction <maximumf>, %get3A_264, %reduce_max3A_273 [0] : vector<4x1664xf32> to vector<1664xf32>
    %broadcast_in_dim3A_275 = vector.shape_cast %reduce_max3A_274 : vector<1664xf32> to vector<1x1664xf32>
    %reduce_min3A_276 = arith.constant dense<0x7F800000> : vector<1664xf32>
    %reduce_min3A_277 = vector.multi_reduction <minimumf>, %get3A_269, %reduce_min3A_276 [0] : vector<4x1664xf32> to vector<1664xf32>
    %broadcast_in_dim3A_278 = vector.shape_cast %reduce_min3A_277 : vector<1664xf32> to vector<1x1664xf32>
    %reduce_max3A_279 = arith.constant dense<0xFF800000> : vector<1664xf32>
    %reduce_max3A_280 = vector.multi_reduction <maximumf>, %get3A_269, %reduce_max3A_279 [0] : vector<4x1664xf32> to vector<1664xf32>
    %broadcast_in_dim3A_281 = vector.shape_cast %reduce_max3A_280 : vector<1664xf32> to vector<1x1664xf32>
    %get3A_282 = arith.constant 4 : index
    %get3A_283 = arith.constant 0 : index
    %get3A_284 = arith.constant 0 : index
    %get3A_285 = vector.load %arg3[%get3A_282, %get3A_283, %get3A_284] : memref<16x1x1664xf32, #tpu.memory_space<vmem>>, vector<1x1x1664xf32>
    %get3A_286 = vector.shape_cast %get3A_285 : vector<1x1x1664xf32> to vector<1x1664xf32>
    %sub3A_287 = arith.subf %broadcast_in_dim3A_275, %broadcast_in_dim3A_272 : vector<1x1664xf32>
    %add3A_288 = arith.constant 9.99999993E-9 : f32
    %add3A_289 = vector.broadcast %add3A_288 : f32 to vector<1x1664xf32>
    %add3A_290 = arith.addf %sub3A_287, %add3A_289 : vector<1x1664xf32>
    %div3A_291 = arith.divf %get3A_286, %add3A_290 : vector<1x1664xf32>
    %sub3A_292 = arith.subf %broadcast_in_dim3A_281, %broadcast_in_dim3A_278 : vector<1x1664xf32>
    %add3A_293 = arith.constant 9.99999993E-9 : f32
    %add3A_294 = vector.broadcast %add3A_293 : f32 to vector<1x1664xf32>
    %add3A_295 = arith.addf %sub3A_292, %add3A_294 : vector<1x1664xf32>
    %div3A_296 = arith.divf %get3A_286, %add3A_295 : vector<1x1664xf32>
    %min3A_297 = vector.broadcast %broadcast_in_dim3A_275 : vector<1x1664xf32> to vector<256x1664xf32>
    %min3A_298 = vector.broadcast %add3A_3 : vector<256x1xf32> to vector<256x1664xf32>
    %min3A_299 = arith.minimumf %min3A_297, %min3A_298 : vector<256x1664xf32>
    %max3A_300 = vector.broadcast %broadcast_in_dim3A_272 : vector<1x1664xf32> to vector<256x1664xf32>
    %max3A_301 = vector.broadcast %mul3A_1 : vector<256x1xf32> to vector<256x1664xf32>
    %max3A_302 = arith.maximumf %max3A_300, %max3A_301 : vector<256x1664xf32>
    %sub3A_303 = arith.subf %min3A_299, %max3A_302 : vector<256x1664xf32>
    %jit3A_304 = arith.constant 0.000000e+00 : f32
    %max3A_305 = vector.broadcast %jit3A_304 : f32 to vector<256x1664xf32>
    %max3A_306 = arith.maximumf %max3A_305, %sub3A_303 : vector<256x1664xf32>
    %min3A_307 = vector.broadcast %broadcast_in_dim3A_281 : vector<1x1664xf32> to vector<256x1664xf32>
    %min3A_308 = vector.broadcast %add3A_3 : vector<256x1xf32> to vector<256x1664xf32>
    %min3A_309 = arith.minimumf %min3A_307, %min3A_308 : vector<256x1664xf32>
    %max3A_310 = vector.broadcast %broadcast_in_dim3A_278 : vector<1x1664xf32> to vector<256x1664xf32>
    %max3A_311 = vector.broadcast %mul3A_1 : vector<256x1xf32> to vector<256x1664xf32>
    %max3A_312 = arith.maximumf %max3A_310, %max3A_311 : vector<256x1664xf32>
    %sub3A_313 = arith.subf %min3A_309, %max3A_312 : vector<256x1664xf32>
    %jit3A_314 = arith.constant 0.000000e+00 : f32
    %max3A_315 = vector.broadcast %jit3A_314 : f32 to vector<256x1664xf32>
    %max3A_316 = arith.maximumf %max3A_315, %sub3A_313 : vector<256x1664xf32>
    %mul3A_317 = vector.broadcast %div3A_296 : vector<1x1664xf32> to vector<256x1664xf32>
    %mul3A_318 = arith.mulf %max3A_316, %mul3A_317 : vector<256x1664xf32>
    %dot_general3A_319 = arith.constant dense<0.000000e+00> : vector<256x256xf32>
    %dot_general3A_320 = tpu.matmul %max3A_306, %mul3A_318, %dot_general3A_319 {dimension_numbers = #tpu.dot_dimension_numbers<[1], [1], [0], [0], [0, 0, 1, 0], [], []>, transpose_lhs_hint = false} : vector<256x1664xf32>, vector<256x1664xf32>, vector<256x256xf32> -> vector<256x256xf32>
    %mul3A_321 = vector.broadcast %div3A_291 : vector<1x1664xf32> to vector<256x1664xf32>
    %mul3A_322 = arith.mulf %max3A_306, %mul3A_321 : vector<256x1664xf32>
    %dot_general3A_323 = arith.constant dense<0.000000e+00> : vector<256x256xf32>
    %dot_general3A_324 = tpu.matmul %mul3A_322, %max3A_316, %dot_general3A_323 {dimension_numbers = #tpu.dot_dimension_numbers<[1], [1], [0], [0], [0, 0, 1, 0], [], []>, transpose_lhs_hint = false} : vector<256x1664xf32>, vector<256x1664xf32>, vector<256x256xf32> -> vector<256x256xf32>
    %add3A_325 = arith.addf %add3A_258, %dot_general3A_320 : vector<256x256xf32>
    %add3A_326 = arith.addf %add3A_259, %dot_general3A_324 : vector<256x256xf32>
    %get3A_327 = arith.constant 5 : index
    %get3A_328 = arith.constant 0 : index
    %get3A_329 = arith.constant 0 : index
    %get3A_330 = vector.load %arg1[%get3A_327, %get3A_328, %get3A_329] : memref<16x4x1664xf32, #tpu.memory_space<vmem>>, vector<1x4x1664xf32>
    %get3A_331 = vector.shape_cast %get3A_330 : vector<1x4x1664xf32> to vector<4x1664xf32>
    %get3A_332 = arith.constant 5 : index
    %get3A_333 = arith.constant 0 : index
    %get3A_334 = arith.constant 0 : index
    %get3A_335 = vector.load %arg2[%get3A_332, %get3A_333, %get3A_334] : memref<16x4x1664xf32, #tpu.memory_space<vmem>>, vector<1x4x1664xf32>
    %get3A_336 = vector.shape_cast %get3A_335 : vector<1x4x1664xf32> to vector<4x1664xf32>
    %reduce_min3A_337 = arith.constant dense<0x7F800000> : vector<1664xf32>
    %reduce_min3A_338 = vector.multi_reduction <minimumf>, %get3A_331, %reduce_min3A_337 [0] : vector<4x1664xf32> to vector<1664xf32>
    %broadcast_in_dim3A_339 = vector.shape_cast %reduce_min3A_338 : vector<1664xf32> to vector<1x1664xf32>
    %reduce_max3A_340 = arith.constant dense<0xFF800000> : vector<1664xf32>
    %reduce_max3A_341 = vector.multi_reduction <maximumf>, %get3A_331, %reduce_max3A_340 [0] : vector<4x1664xf32> to vector<1664xf32>
    %broadcast_in_dim3A_342 = vector.shape_cast %reduce_max3A_341 : vector<1664xf32> to vector<1x1664xf32>
    %reduce_min3A_343 = arith.constant dense<0x7F800000> : vector<1664xf32>
    %reduce_min3A_344 = vector.multi_reduction <minimumf>, %get3A_336, %reduce_min3A_343 [0] : vector<4x1664xf32> to vector<1664xf32>
    %broadcast_in_dim3A_345 = vector.shape_cast %reduce_min3A_344 : vector<1664xf32> to vector<1x1664xf32>
    %reduce_max3A_346 = arith.constant dense<0xFF800000> : vector<1664xf32>
    %reduce_max3A_347 = vector.multi_reduction <maximumf>, %get3A_336, %reduce_max3A_346 [0] : vector<4x1664xf32> to vector<1664xf32>
    %broadcast_in_dim3A_348 = vector.shape_cast %reduce_max3A_347 : vector<1664xf32> to vector<1x1664xf32>
    %get3A_349 = arith.constant 5 : index
    %get3A_350 = arith.constant 0 : index
    %get3A_351 = arith.constant 0 : index
    %get3A_352 = vector.load %arg3[%get3A_349, %get3A_350, %get3A_351] : memref<16x1x1664xf32, #tpu.memory_space<vmem>>, vector<1x1x1664xf32>
    %get3A_353 = vector.shape_cast %get3A_352 : vector<1x1x1664xf32> to vector<1x1664xf32>
    %sub3A_354 = arith.subf %broadcast_in_dim3A_342, %broadcast_in_dim3A_339 : vector<1x1664xf32>
    %add3A_355 = arith.constant 9.99999993E-9 : f32
    %add3A_356 = vector.broadcast %add3A_355 : f32 to vector<1x1664xf32>
    %add3A_357 = arith.addf %sub3A_354, %add3A_356 : vector<1x1664xf32>
    %div3A_358 = arith.divf %get3A_353, %add3A_357 : vector<1x1664xf32>
    %sub3A_359 = arith.subf %broadcast_in_dim3A_348, %broadcast_in_dim3A_345 : vector<1x1664xf32>
    %add3A_360 = arith.constant 9.99999993E-9 : f32
    %add3A_361 = vector.broadcast %add3A_360 : f32 to vector<1x1664xf32>
    %add3A_362 = arith.addf %sub3A_359, %add3A_361 : vector<1x1664xf32>
    %div3A_363 = arith.divf %get3A_353, %add3A_362 : vector<1x1664xf32>
    %min3A_364 = vector.broadcast %broadcast_in_dim3A_342 : vector<1x1664xf32> to vector<256x1664xf32>
    %min3A_365 = vector.broadcast %add3A_3 : vector<256x1xf32> to vector<256x1664xf32>
    %min3A_366 = arith.minimumf %min3A_364, %min3A_365 : vector<256x1664xf32>
    %max3A_367 = vector.broadcast %broadcast_in_dim3A_339 : vector<1x1664xf32> to vector<256x1664xf32>
    %max3A_368 = vector.broadcast %mul3A_1 : vector<256x1xf32> to vector<256x1664xf32>
    %max3A_369 = arith.maximumf %max3A_367, %max3A_368 : vector<256x1664xf32>
    %sub3A_370 = arith.subf %min3A_366, %max3A_369 : vector<256x1664xf32>
    %jit3A_371 = arith.constant 0.000000e+00 : f32
    %max3A_372 = vector.broadcast %jit3A_371 : f32 to vector<256x1664xf32>
    %max3A_373 = arith.maximumf %max3A_372, %sub3A_370 : vector<256x1664xf32>
    %min3A_374 = vector.broadcast %broadcast_in_dim3A_348 : vector<1x1664xf32> to vector<256x1664xf32>
    %min3A_375 = vector.broadcast %add3A_3 : vector<256x1xf32> to vector<256x1664xf32>
    %min3A_376 = arith.minimumf %min3A_374, %min3A_375 : vector<256x1664xf32>
    %max3A_377 = vector.broadcast %broadcast_in_dim3A_345 : vector<1x1664xf32> to vector<256x1664xf32>
    %max3A_378 = vector.broadcast %mul3A_1 : vector<256x1xf32> to vector<256x1664xf32>
    %max3A_379 = arith.maximumf %max3A_377, %max3A_378 : vector<256x1664xf32>
    %sub3A_380 = arith.subf %min3A_376, %max3A_379 : vector<256x1664xf32>
    %jit3A_381 = arith.constant 0.000000e+00 : f32
    %max3A_382 = vector.broadcast %jit3A_381 : f32 to vector<256x1664xf32>
    %max3A_383 = arith.maximumf %max3A_382, %sub3A_380 : vector<256x1664xf32>
    %mul3A_384 = vector.broadcast %div3A_363 : vector<1x1664xf32> to vector<256x1664xf32>
    %mul3A_385 = arith.mulf %max3A_383, %mul3A_384 : vector<256x1664xf32>
    %dot_general3A_386 = arith.constant dense<0.000000e+00> : vector<256x256xf32>
    %dot_general3A_387 = tpu.matmul %max3A_373, %mul3A_385, %dot_general3A_386 {dimension_numbers = #tpu.dot_dimension_numbers<[1], [1], [0], [0], [0, 0, 1, 0], [], []>, transpose_lhs_hint = false} : vector<256x1664xf32>, vector<256x1664xf32>, vector<256x256xf32> -> vector<256x256xf32>
    %mul3A_388 = vector.broadcast %div3A_358 : vector<1x1664xf32> to vector<256x1664xf32>
    %mul3A_389 = arith.mulf %max3A_373, %mul3A_388 : vector<256x1664xf32>
    %dot_general3A_390 = arith.constant dense<0.000000e+00> : vector<256x256xf32>
    %dot_general3A_391 = tpu.matmul %mul3A_389, %max3A_383, %dot_general3A_390 {dimension_numbers = #tpu.dot_dimension_numbers<[1], [1], [0], [0], [0, 0, 1, 0], [], []>, transpose_lhs_hint = false} : vector<256x1664xf32>, vector<256x1664xf32>, vector<256x256xf32> -> vector<256x256xf32>
    %add3A_392 = arith.addf %add3A_325, %dot_general3A_387 : vector<256x256xf32>
    %add3A_393 = arith.addf %add3A_326, %dot_general3A_391 : vector<256x256xf32>
    %get3A_394 = arith.constant 6 : index
    %get3A_395 = arith.constant 0 : index
    %get3A_396 = arith.constant 0 : index
    %get3A_397 = vector.load %arg1[%get3A_394, %get3A_395, %get3A_396] : memref<16x4x1664xf32, #tpu.memory_space<vmem>>, vector<1x4x1664xf32>
    %get3A_398 = vector.shape_cast %get3A_397 : vector<1x4x1664xf32> to vector<4x1664xf32>
    %get3A_399 = arith.constant 6 : index
    %get3A_400 = arith.constant 0 : index
    %get3A_401 = arith.constant 0 : index
    %get3A_402 = vector.load %arg2[%get3A_399, %get3A_400, %get3A_401] : memref<16x4x1664xf32, #tpu.memory_space<vmem>>, vector<1x4x1664xf32>
    %get3A_403 = vector.shape_cast %get3A_402 : vector<1x4x1664xf32> to vector<4x1664xf32>
    %reduce_min3A_404 = arith.constant dense<0x7F800000> : vector<1664xf32>
    %reduce_min3A_405 = vector.multi_reduction <minimumf>, %get3A_398, %reduce_min3A_404 [0] : vector<4x1664xf32> to vector<1664xf32>
    %broadcast_in_dim3A_406 = vector.shape_cast %reduce_min3A_405 : vector<1664xf32> to vector<1x1664xf32>
    %reduce_max3A_407 = arith.constant dense<0xFF800000> : vector<1664xf32>
    %reduce_max3A_408 = vector.multi_reduction <maximumf>, %get3A_398, %reduce_max3A_407 [0] : vector<4x1664xf32> to vector<1664xf32>
    %broadcast_in_dim3A_409 = vector.shape_cast %reduce_max3A_408 : vector<1664xf32> to vector<1x1664xf32>
    %reduce_min3A_410 = arith.constant dense<0x7F800000> : vector<1664xf32>
    %reduce_min3A_411 = vector.multi_reduction <minimumf>, %get3A_403, %reduce_min3A_410 [0] : vector<4x1664xf32> to vector<1664xf32>
    %broadcast_in_dim3A_412 = vector.shape_cast %reduce_min3A_411 : vector<1664xf32> to vector<1x1664xf32>
    %reduce_max3A_413 = arith.constant dense<0xFF800000> : vector<1664xf32>
    %reduce_max3A_414 = vector.multi_reduction <maximumf>, %get3A_403, %reduce_max3A_413 [0] : vector<4x1664xf32> to vector<1664xf32>
    %broadcast_in_dim3A_415 = vector.shape_cast %reduce_max3A_414 : vector<1664xf32> to vector<1x1664xf32>
    %get3A_416 = arith.constant 6 : index
    %get3A_417 = arith.constant 0 : index
    %get3A_418 = arith.constant 0 : index
    %get3A_419 = vector.load %arg3[%get3A_416, %get3A_417, %get3A_418] : memref<16x1x1664xf32, #tpu.memory_space<vmem>>, vector<1x1x1664xf32>
    %get3A_420 = vector.shape_cast %get3A_419 : vector<1x1x1664xf32> to vector<1x1664xf32>
    %sub3A_421 = arith.subf %broadcast_in_dim3A_409, %broadcast_in_dim3A_406 : vector<1x1664xf32>
    %add3A_422 = arith.constant 9.99999993E-9 : f32
    %add3A_423 = vector.broadcast %add3A_422 : f32 to vector<1x1664xf32>
    %add3A_424 = arith.addf %sub3A_421, %add3A_423 : vector<1x1664xf32>
    %div3A_425 = arith.divf %get3A_420, %add3A_424 : vector<1x1664xf32>
    %sub3A_426 = arith.subf %broadcast_in_dim3A_415, %broadcast_in_dim3A_412 : vector<1x1664xf32>
    %add3A_427 = arith.constant 9.99999993E-9 : f32
    %add3A_428 = vector.broadcast %add3A_427 : f32 to vector<1x1664xf32>
    %add3A_429 = arith.addf %sub3A_426, %add3A_428 : vector<1x1664xf32>
    %div3A_430 = arith.divf %get3A_420, %add3A_429 : vector<1x1664xf32>
    %min3A_431 = vector.broadcast %broadcast_in_dim3A_409 : vector<1x1664xf32> to vector<256x1664xf32>
    %min3A_432 = vector.broadcast %add3A_3 : vector<256x1xf32> to vector<256x1664xf32>
    %min3A_433 = arith.minimumf %min3A_431, %min3A_432 : vector<256x1664xf32>
    %max3A_434 = vector.broadcast %broadcast_in_dim3A_406 : vector<1x1664xf32> to vector<256x1664xf32>
    %max3A_435 = vector.broadcast %mul3A_1 : vector<256x1xf32> to vector<256x1664xf32>
    %max3A_436 = arith.maximumf %max3A_434, %max3A_435 : vector<256x1664xf32>
    %sub3A_437 = arith.subf %min3A_433, %max3A_436 : vector<256x1664xf32>
    %jit3A_438 = arith.constant 0.000000e+00 : f32
    %max3A_439 = vector.broadcast %jit3A_438 : f32 to vector<256x1664xf32>
    %max3A_440 = arith.maximumf %max3A_439, %sub3A_437 : vector<256x1664xf32>
    %min3A_441 = vector.broadcast %broadcast_in_dim3A_415 : vector<1x1664xf32> to vector<256x1664xf32>
    %min3A_442 = vector.broadcast %add3A_3 : vector<256x1xf32> to vector<256x1664xf32>
    %min3A_443 = arith.minimumf %min3A_441, %min3A_442 : vector<256x1664xf32>
    %max3A_444 = vector.broadcast %broadcast_in_dim3A_412 : vector<1x1664xf32> to vector<256x1664xf32>
    %max3A_445 = vector.broadcast %mul3A_1 : vector<256x1xf32> to vector<256x1664xf32>
    %max3A_446 = arith.maximumf %max3A_444, %max3A_445 : vector<256x1664xf32>
    %sub3A_447 = arith.subf %min3A_443, %max3A_446 : vector<256x1664xf32>
    %jit3A_448 = arith.constant 0.000000e+00 : f32
    %max3A_449 = vector.broadcast %jit3A_448 : f32 to vector<256x1664xf32>
    %max3A_450 = arith.maximumf %max3A_449, %sub3A_447 : vector<256x1664xf32>
    %mul3A_451 = vector.broadcast %div3A_430 : vector<1x1664xf32> to vector<256x1664xf32>
    %mul3A_452 = arith.mulf %max3A_450, %mul3A_451 : vector<256x1664xf32>
    %dot_general3A_453 = arith.constant dense<0.000000e+00> : vector<256x256xf32>
    %dot_general3A_454 = tpu.matmul %max3A_440, %mul3A_452, %dot_general3A_453 {dimension_numbers = #tpu.dot_dimension_numbers<[1], [1], [0], [0], [0, 0, 1, 0], [], []>, transpose_lhs_hint = false} : vector<256x1664xf32>, vector<256x1664xf32>, vector<256x256xf32> -> vector<256x256xf32>
    %mul3A_455 = vector.broadcast %div3A_425 : vector<1x1664xf32> to vector<256x1664xf32>
    %mul3A_456 = arith.mulf %max3A_440, %mul3A_455 : vector<256x1664xf32>
    %dot_general3A_457 = arith.constant dense<0.000000e+00> : vector<256x256xf32>
    %dot_general3A_458 = tpu.matmul %mul3A_456, %max3A_450, %dot_general3A_457 {dimension_numbers = #tpu.dot_dimension_numbers<[1], [1], [0], [0], [0, 0, 1, 0], [], []>, transpose_lhs_hint = false} : vector<256x1664xf32>, vector<256x1664xf32>, vector<256x256xf32> -> vector<256x256xf32>
    %add3A_459 = arith.addf %add3A_392, %dot_general3A_454 : vector<256x256xf32>
    %add3A_460 = arith.addf %add3A_393, %dot_general3A_458 : vector<256x256xf32>
    %get3A_461 = arith.constant 7 : index
    %get3A_462 = arith.constant 0 : index
    %get3A_463 = arith.constant 0 : index
    %get3A_464 = vector.load %arg1[%get3A_461, %get3A_462, %get3A_463] : memref<16x4x1664xf32, #tpu.memory_space<vmem>>, vector<1x4x1664xf32>
    %get3A_465 = vector.shape_cast %get3A_464 : vector<1x4x1664xf32> to vector<4x1664xf32>
    %get3A_466 = arith.constant 7 : index
    %get3A_467 = arith.constant 0 : index
    %get3A_468 = arith.constant 0 : index
    %get3A_469 = vector.load %arg2[%get3A_466, %get3A_467, %get3A_468] : memref<16x4x1664xf32, #tpu.memory_space<vmem>>, vector<1x4x1664xf32>
    %get3A_470 = vector.shape_cast %get3A_469 : vector<1x4x1664xf32> to vector<4x1664xf32>
    %reduce_min3A_471 = arith.constant dense<0x7F800000> : vector<1664xf32>
    %reduce_min3A_472 = vector.multi_reduction <minimumf>, %get3A_465, %reduce_min3A_471 [0] : vector<4x1664xf32> to vector<1664xf32>
    %broadcast_in_dim3A_473 = vector.shape_cast %reduce_min3A_472 : vector<1664xf32> to vector<1x1664xf32>
    %reduce_max3A_474 = arith.constant dense<0xFF800000> : vector<1664xf32>
    %reduce_max3A_475 = vector.multi_reduction <maximumf>, %get3A_465, %reduce_max3A_474 [0] : vector<4x1664xf32> to vector<1664xf32>
    %broadcast_in_dim3A_476 = vector.shape_cast %reduce_max3A_475 : vector<1664xf32> to vector<1x1664xf32>
    %reduce_min3A_477 = arith.constant dense<0x7F800000> : vector<1664xf32>
    %reduce_min3A_478 = vector.multi_reduction <minimumf>, %get3A_470, %reduce_min3A_477 [0] : vector<4x1664xf32> to vector<1664xf32>
    %broadcast_in_dim3A_479 = vector.shape_cast %reduce_min3A_478 : vector<1664xf32> to vector<1x1664xf32>
    %reduce_max3A_480 = arith.constant dense<0xFF800000> : vector<1664xf32>
    %reduce_max3A_481 = vector.multi_reduction <maximumf>, %get3A_470, %reduce_max3A_480 [0] : vector<4x1664xf32> to vector<1664xf32>
    %broadcast_in_dim3A_482 = vector.shape_cast %reduce_max3A_481 : vector<1664xf32> to vector<1x1664xf32>
    %get3A_483 = arith.constant 7 : index
    %get3A_484 = arith.constant 0 : index
    %get3A_485 = arith.constant 0 : index
    %get3A_486 = vector.load %arg3[%get3A_483, %get3A_484, %get3A_485] : memref<16x1x1664xf32, #tpu.memory_space<vmem>>, vector<1x1x1664xf32>
    %get3A_487 = vector.shape_cast %get3A_486 : vector<1x1x1664xf32> to vector<1x1664xf32>
    %sub3A_488 = arith.subf %broadcast_in_dim3A_476, %broadcast_in_dim3A_473 : vector<1x1664xf32>
    %add3A_489 = arith.constant 9.99999993E-9 : f32
    %add3A_490 = vector.broadcast %add3A_489 : f32 to vector<1x1664xf32>
    %add3A_491 = arith.addf %sub3A_488, %add3A_490 : vector<1x1664xf32>
    %div3A_492 = arith.divf %get3A_487, %add3A_491 : vector<1x1664xf32>
    %sub3A_493 = arith.subf %broadcast_in_dim3A_482, %broadcast_in_dim3A_479 : vector<1x1664xf32>
    %add3A_494 = arith.constant 9.99999993E-9 : f32
    %add3A_495 = vector.broadcast %add3A_494 : f32 to vector<1x1664xf32>
    %add3A_496 = arith.addf %sub3A_493, %add3A_495 : vector<1x1664xf32>
    %div3A_497 = arith.divf %get3A_487, %add3A_496 : vector<1x1664xf32>
    %min3A_498 = vector.broadcast %broadcast_in_dim3A_476 : vector<1x1664xf32> to vector<256x1664xf32>
    %min3A_499 = vector.broadcast %add3A_3 : vector<256x1xf32> to vector<256x1664xf32>
    %min3A_500 = arith.minimumf %min3A_498, %min3A_499 : vector<256x1664xf32>
    %max3A_501 = vector.broadcast %broadcast_in_dim3A_473 : vector<1x1664xf32> to vector<256x1664xf32>
    %max3A_502 = vector.broadcast %mul3A_1 : vector<256x1xf32> to vector<256x1664xf32>
    %max3A_503 = arith.maximumf %max3A_501, %max3A_502 : vector<256x1664xf32>
    %sub3A_504 = arith.subf %min3A_500, %max3A_503 : vector<256x1664xf32>
    %jit3A_505 = arith.constant 0.000000e+00 : f32
    %max3A_506 = vector.broadcast %jit3A_505 : f32 to vector<256x1664xf32>
    %max3A_507 = arith.maximumf %max3A_506, %sub3A_504 : vector<256x1664xf32>
    %min3A_508 = vector.broadcast %broadcast_in_dim3A_482 : vector<1x1664xf32> to vector<256x1664xf32>
    %min3A_509 = vector.broadcast %add3A_3 : vector<256x1xf32> to vector<256x1664xf32>
    %min3A_510 = arith.minimumf %min3A_508, %min3A_509 : vector<256x1664xf32>
    %max3A_511 = vector.broadcast %broadcast_in_dim3A_479 : vector<1x1664xf32> to vector<256x1664xf32>
    %max3A_512 = vector.broadcast %mul3A_1 : vector<256x1xf32> to vector<256x1664xf32>
    %max3A_513 = arith.maximumf %max3A_511, %max3A_512 : vector<256x1664xf32>
    %sub3A_514 = arith.subf %min3A_510, %max3A_513 : vector<256x1664xf32>
    %jit3A_515 = arith.constant 0.000000e+00 : f32
    %max3A_516 = vector.broadcast %jit3A_515 : f32 to vector<256x1664xf32>
    %max3A_517 = arith.maximumf %max3A_516, %sub3A_514 : vector<256x1664xf32>
    %mul3A_518 = vector.broadcast %div3A_497 : vector<1x1664xf32> to vector<256x1664xf32>
    %mul3A_519 = arith.mulf %max3A_517, %mul3A_518 : vector<256x1664xf32>
    %dot_general3A_520 = arith.constant dense<0.000000e+00> : vector<256x256xf32>
    %dot_general3A_521 = tpu.matmul %max3A_507, %mul3A_519, %dot_general3A_520 {dimension_numbers = #tpu.dot_dimension_numbers<[1], [1], [0], [0], [0, 0, 1, 0], [], []>, transpose_lhs_hint = false} : vector<256x1664xf32>, vector<256x1664xf32>, vector<256x256xf32> -> vector<256x256xf32>
    %mul3A_522 = vector.broadcast %div3A_492 : vector<1x1664xf32> to vector<256x1664xf32>
    %mul3A_523 = arith.mulf %max3A_507, %mul3A_522 : vector<256x1664xf32>
    %dot_general3A_524 = arith.constant dense<0.000000e+00> : vector<256x256xf32>
    %dot_general3A_525 = tpu.matmul %mul3A_523, %max3A_517, %dot_general3A_524 {dimension_numbers = #tpu.dot_dimension_numbers<[1], [1], [0], [0], [0, 0, 1, 0], [], []>, transpose_lhs_hint = false} : vector<256x1664xf32>, vector<256x1664xf32>, vector<256x256xf32> -> vector<256x256xf32>
    %add3A_526 = arith.addf %add3A_459, %dot_general3A_521 : vector<256x256xf32>
    %add3A_527 = arith.addf %add3A_460, %dot_general3A_525 : vector<256x256xf32>
    %get3A_528 = arith.constant 8 : index
    %get3A_529 = arith.constant 0 : index
    %get3A_530 = arith.constant 0 : index
    %get3A_531 = vector.load %arg1[%get3A_528, %get3A_529, %get3A_530] : memref<16x4x1664xf32, #tpu.memory_space<vmem>>, vector<1x4x1664xf32>
    %get3A_532 = vector.shape_cast %get3A_531 : vector<1x4x1664xf32> to vector<4x1664xf32>
    %get3A_533 = arith.constant 8 : index
    %get3A_534 = arith.constant 0 : index
    %get3A_535 = arith.constant 0 : index
    %get3A_536 = vector.load %arg2[%get3A_533, %get3A_534, %get3A_535] : memref<16x4x1664xf32, #tpu.memory_space<vmem>>, vector<1x4x1664xf32>
    %get3A_537 = vector.shape_cast %get3A_536 : vector<1x4x1664xf32> to vector<4x1664xf32>
    %reduce_min3A_538 = arith.constant dense<0x7F800000> : vector<1664xf32>
    %reduce_min3A_539 = vector.multi_reduction <minimumf>, %get3A_532, %reduce_min3A_538 [0] : vector<4x1664xf32> to vector<1664xf32>
    %broadcast_in_dim3A_540 = vector.shape_cast %reduce_min3A_539 : vector<1664xf32> to vector<1x1664xf32>
    %reduce_max3A_541 = arith.constant dense<0xFF800000> : vector<1664xf32>
    %reduce_max3A_542 = vector.multi_reduction <maximumf>, %get3A_532, %reduce_max3A_541 [0] : vector<4x1664xf32> to vector<1664xf32>
    %broadcast_in_dim3A_543 = vector.shape_cast %reduce_max3A_542 : vector<1664xf32> to vector<1x1664xf32>
    %reduce_min3A_544 = arith.constant dense<0x7F800000> : vector<1664xf32>
    %reduce_min3A_545 = vector.multi_reduction <minimumf>, %get3A_537, %reduce_min3A_544 [0] : vector<4x1664xf32> to vector<1664xf32>
    %broadcast_in_dim3A_546 = vector.shape_cast %reduce_min3A_545 : vector<1664xf32> to vector<1x1664xf32>
    %reduce_max3A_547 = arith.constant dense<0xFF800000> : vector<1664xf32>
    %reduce_max3A_548 = vector.multi_reduction <maximumf>, %get3A_537, %reduce_max3A_547 [0] : vector<4x1664xf32> to vector<1664xf32>
    %broadcast_in_dim3A_549 = vector.shape_cast %reduce_max3A_548 : vector<1664xf32> to vector<1x1664xf32>
    %get3A_550 = arith.constant 8 : index
    %get3A_551 = arith.constant 0 : index
    %get3A_552 = arith.constant 0 : index
    %get3A_553 = vector.load %arg3[%get3A_550, %get3A_551, %get3A_552] : memref<16x1x1664xf32, #tpu.memory_space<vmem>>, vector<1x1x1664xf32>
    %get3A_554 = vector.shape_cast %get3A_553 : vector<1x1x1664xf32> to vector<1x1664xf32>
    %sub3A_555 = arith.subf %broadcast_in_dim3A_543, %broadcast_in_dim3A_540 : vector<1x1664xf32>
    %add3A_556 = arith.constant 9.99999993E-9 : f32
    %add3A_557 = vector.broadcast %add3A_556 : f32 to vector<1x1664xf32>
    %add3A_558 = arith.addf %sub3A_555, %add3A_557 : vector<1x1664xf32>
    %div3A_559 = arith.divf %get3A_554, %add3A_558 : vector<1x1664xf32>
    %sub3A_560 = arith.subf %broadcast_in_dim3A_549, %broadcast_in_dim3A_546 : vector<1x1664xf32>
    %add3A_561 = arith.constant 9.99999993E-9 : f32
    %add3A_562 = vector.broadcast %add3A_561 : f32 to vector<1x1664xf32>
    %add3A_563 = arith.addf %sub3A_560, %add3A_562 : vector<1x1664xf32>
    %div3A_564 = arith.divf %get3A_554, %add3A_563 : vector<1x1664xf32>
    %min3A_565 = vector.broadcast %broadcast_in_dim3A_543 : vector<1x1664xf32> to vector<256x1664xf32>
    %min3A_566 = vector.broadcast %add3A_3 : vector<256x1xf32> to vector<256x1664xf32>
    %min3A_567 = arith.minimumf %min3A_565, %min3A_566 : vector<256x1664xf32>
    %max3A_568 = vector.broadcast %broadcast_in_dim3A_540 : vector<1x1664xf32> to vector<256x1664xf32>
    %max3A_569 = vector.broadcast %mul3A_1 : vector<256x1xf32> to vector<256x1664xf32>
    %max3A_570 = arith.maximumf %max3A_568, %max3A_569 : vector<256x1664xf32>
    %sub3A_571 = arith.subf %min3A_567, %max3A_570 : vector<256x1664xf32>
    %jit3A_572 = arith.constant 0.000000e+00 : f32
    %max3A_573 = vector.broadcast %jit3A_572 : f32 to vector<256x1664xf32>
    %max3A_574 = arith.maximumf %max3A_573, %sub3A_571 : vector<256x1664xf32>
    %min3A_575 = vector.broadcast %broadcast_in_dim3A_549 : vector<1x1664xf32> to vector<256x1664xf32>
    %min3A_576 = vector.broadcast %add3A_3 : vector<256x1xf32> to vector<256x1664xf32>
    %min3A_577 = arith.minimumf %min3A_575, %min3A_576 : vector<256x1664xf32>
    %max3A_578 = vector.broadcast %broadcast_in_dim3A_546 : vector<1x1664xf32> to vector<256x1664xf32>
    %max3A_579 = vector.broadcast %mul3A_1 : vector<256x1xf32> to vector<256x1664xf32>
    %max3A_580 = arith.maximumf %max3A_578, %max3A_579 : vector<256x1664xf32>
    %sub3A_581 = arith.subf %min3A_577, %max3A_580 : vector<256x1664xf32>
    %jit3A_582 = arith.constant 0.000000e+00 : f32
    %max3A_583 = vector.broadcast %jit3A_582 : f32 to vector<256x1664xf32>
    %max3A_584 = arith.maximumf %max3A_583, %sub3A_581 : vector<256x1664xf32>
    %mul3A_585 = vector.broadcast %div3A_564 : vector<1x1664xf32> to vector<256x1664xf32>
    %mul3A_586 = arith.mulf %max3A_584, %mul3A_585 : vector<256x1664xf32>
    %dot_general3A_587 = arith.constant dense<0.000000e+00> : vector<256x256xf32>
    %dot_general3A_588 = tpu.matmul %max3A_574, %mul3A_586, %dot_general3A_587 {dimension_numbers = #tpu.dot_dimension_numbers<[1], [1], [0], [0], [0, 0, 1, 0], [], []>, transpose_lhs_hint = false} : vector<256x1664xf32>, vector<256x1664xf32>, vector<256x256xf32> -> vector<256x256xf32>
    %mul3A_589 = vector.broadcast %div3A_559 : vector<1x1664xf32> to vector<256x1664xf32>
    %mul3A_590 = arith.mulf %max3A_574, %mul3A_589 : vector<256x1664xf32>
    %dot_general3A_591 = arith.constant dense<0.000000e+00> : vector<256x256xf32>
    %dot_general3A_592 = tpu.matmul %mul3A_590, %max3A_584, %dot_general3A_591 {dimension_numbers = #tpu.dot_dimension_numbers<[1], [1], [0], [0], [0, 0, 1, 0], [], []>, transpose_lhs_hint = false} : vector<256x1664xf32>, vector<256x1664xf32>, vector<256x256xf32> -> vector<256x256xf32>
    %add3A_593 = arith.addf %add3A_526, %dot_general3A_588 : vector<256x256xf32>
    %add3A_594 = arith.addf %add3A_527, %dot_general3A_592 : vector<256x256xf32>
    %get3A_595 = arith.constant 9 : index
    %get3A_596 = arith.constant 0 : index
    %get3A_597 = arith.constant 0 : index
    %get3A_598 = vector.load %arg1[%get3A_595, %get3A_596, %get3A_597] : memref<16x4x1664xf32, #tpu.memory_space<vmem>>, vector<1x4x1664xf32>
    %get3A_599 = vector.shape_cast %get3A_598 : vector<1x4x1664xf32> to vector<4x1664xf32>
    %get3A_600 = arith.constant 9 : index
    %get3A_601 = arith.constant 0 : index
    %get3A_602 = arith.constant 0 : index
    %get3A_603 = vector.load %arg2[%get3A_600, %get3A_601, %get3A_602] : memref<16x4x1664xf32, #tpu.memory_space<vmem>>, vector<1x4x1664xf32>
    %get3A_604 = vector.shape_cast %get3A_603 : vector<1x4x1664xf32> to vector<4x1664xf32>
    %reduce_min3A_605 = arith.constant dense<0x7F800000> : vector<1664xf32>
    %reduce_min3A_606 = vector.multi_reduction <minimumf>, %get3A_599, %reduce_min3A_605 [0] : vector<4x1664xf32> to vector<1664xf32>
    %broadcast_in_dim3A_607 = vector.shape_cast %reduce_min3A_606 : vector<1664xf32> to vector<1x1664xf32>
    %reduce_max3A_608 = arith.constant dense<0xFF800000> : vector<1664xf32>
    %reduce_max3A_609 = vector.multi_reduction <maximumf>, %get3A_599, %reduce_max3A_608 [0] : vector<4x1664xf32> to vector<1664xf32>
    %broadcast_in_dim3A_610 = vector.shape_cast %reduce_max3A_609 : vector<1664xf32> to vector<1x1664xf32>
    %reduce_min3A_611 = arith.constant dense<0x7F800000> : vector<1664xf32>
    %reduce_min3A_612 = vector.multi_reduction <minimumf>, %get3A_604, %reduce_min3A_611 [0] : vector<4x1664xf32> to vector<1664xf32>
    %broadcast_in_dim3A_613 = vector.shape_cast %reduce_min3A_612 : vector<1664xf32> to vector<1x1664xf32>
    %reduce_max3A_614 = arith.constant dense<0xFF800000> : vector<1664xf32>
    %reduce_max3A_615 = vector.multi_reduction <maximumf>, %get3A_604, %reduce_max3A_614 [0] : vector<4x1664xf32> to vector<1664xf32>
    %broadcast_in_dim3A_616 = vector.shape_cast %reduce_max3A_615 : vector<1664xf32> to vector<1x1664xf32>
    %get3A_617 = arith.constant 9 : index
    %get3A_618 = arith.constant 0 : index
    %get3A_619 = arith.constant 0 : index
    %get3A_620 = vector.load %arg3[%get3A_617, %get3A_618, %get3A_619] : memref<16x1x1664xf32, #tpu.memory_space<vmem>>, vector<1x1x1664xf32>
    %get3A_621 = vector.shape_cast %get3A_620 : vector<1x1x1664xf32> to vector<1x1664xf32>
    %sub3A_622 = arith.subf %broadcast_in_dim3A_610, %broadcast_in_dim3A_607 : vector<1x1664xf32>
    %add3A_623 = arith.constant 9.99999993E-9 : f32
    %add3A_624 = vector.broadcast %add3A_623 : f32 to vector<1x1664xf32>
    %add3A_625 = arith.addf %sub3A_622, %add3A_624 : vector<1x1664xf32>
    %div3A_626 = arith.divf %get3A_621, %add3A_625 : vector<1x1664xf32>
    %sub3A_627 = arith.subf %broadcast_in_dim3A_616, %broadcast_in_dim3A_613 : vector<1x1664xf32>
    %add3A_628 = arith.constant 9.99999993E-9 : f32
    %add3A_629 = vector.broadcast %add3A_628 : f32 to vector<1x1664xf32>
    %add3A_630 = arith.addf %sub3A_627, %add3A_629 : vector<1x1664xf32>
    %div3A_631 = arith.divf %get3A_621, %add3A_630 : vector<1x1664xf32>
    %min3A_632 = vector.broadcast %broadcast_in_dim3A_610 : vector<1x1664xf32> to vector<256x1664xf32>
    %min3A_633 = vector.broadcast %add3A_3 : vector<256x1xf32> to vector<256x1664xf32>
    %min3A_634 = arith.minimumf %min3A_632, %min3A_633 : vector<256x1664xf32>
    %max3A_635 = vector.broadcast %broadcast_in_dim3A_607 : vector<1x1664xf32> to vector<256x1664xf32>
    %max3A_636 = vector.broadcast %mul3A_1 : vector<256x1xf32> to vector<256x1664xf32>
    %max3A_637 = arith.maximumf %max3A_635, %max3A_636 : vector<256x1664xf32>
    %sub3A_638 = arith.subf %min3A_634, %max3A_637 : vector<256x1664xf32>
    %jit3A_639 = arith.constant 0.000000e+00 : f32
    %max3A_640 = vector.broadcast %jit3A_639 : f32 to vector<256x1664xf32>
    %max3A_641 = arith.maximumf %max3A_640, %sub3A_638 : vector<256x1664xf32>
    %min3A_642 = vector.broadcast %broadcast_in_dim3A_616 : vector<1x1664xf32> to vector<256x1664xf32>
    %min3A_643 = vector.broadcast %add3A_3 : vector<256x1xf32> to vector<256x1664xf32>
    %min3A_644 = arith.minimumf %min3A_642, %min3A_643 : vector<256x1664xf32>
    %max3A_645 = vector.broadcast %broadcast_in_dim3A_613 : vector<1x1664xf32> to vector<256x1664xf32>
    %max3A_646 = vector.broadcast %mul3A_1 : vector<256x1xf32> to vector<256x1664xf32>
    %max3A_647 = arith.maximumf %max3A_645, %max3A_646 : vector<256x1664xf32>
    %sub3A_648 = arith.subf %min3A_644, %max3A_647 : vector<256x1664xf32>
    %jit3A_649 = arith.constant 0.000000e+00 : f32
    %max3A_650 = vector.broadcast %jit3A_649 : f32 to vector<256x1664xf32>
    %max3A_651 = arith.maximumf %max3A_650, %sub3A_648 : vector<256x1664xf32>
    %mul3A_652 = vector.broadcast %div3A_631 : vector<1x1664xf32> to vector<256x1664xf32>
    %mul3A_653 = arith.mulf %max3A_651, %mul3A_652 : vector<256x1664xf32>
    %dot_general3A_654 = arith.constant dense<0.000000e+00> : vector<256x256xf32>
    %dot_general3A_655 = tpu.matmul %max3A_641, %mul3A_653, %dot_general3A_654 {dimension_numbers = #tpu.dot_dimension_numbers<[1], [1], [0], [0], [0, 0, 1, 0], [], []>, transpose_lhs_hint = false} : vector<256x1664xf32>, vector<256x1664xf32>, vector<256x256xf32> -> vector<256x256xf32>
    %mul3A_656 = vector.broadcast %div3A_626 : vector<1x1664xf32> to vector<256x1664xf32>
    %mul3A_657 = arith.mulf %max3A_641, %mul3A_656 : vector<256x1664xf32>
    %dot_general3A_658 = arith.constant dense<0.000000e+00> : vector<256x256xf32>
    %dot_general3A_659 = tpu.matmul %mul3A_657, %max3A_651, %dot_general3A_658 {dimension_numbers = #tpu.dot_dimension_numbers<[1], [1], [0], [0], [0, 0, 1, 0], [], []>, transpose_lhs_hint = false} : vector<256x1664xf32>, vector<256x1664xf32>, vector<256x256xf32> -> vector<256x256xf32>
    %add3A_660 = arith.addf %add3A_593, %dot_general3A_655 : vector<256x256xf32>
    %add3A_661 = arith.addf %add3A_594, %dot_general3A_659 : vector<256x256xf32>
    %get3A_662 = arith.constant 10 : index
    %get3A_663 = arith.constant 0 : index
    %get3A_664 = arith.constant 0 : index
    %get3A_665 = vector.load %arg1[%get3A_662, %get3A_663, %get3A_664] : memref<16x4x1664xf32, #tpu.memory_space<vmem>>, vector<1x4x1664xf32>
    %get3A_666 = vector.shape_cast %get3A_665 : vector<1x4x1664xf32> to vector<4x1664xf32>
    %get3A_667 = arith.constant 10 : index
    %get3A_668 = arith.constant 0 : index
    %get3A_669 = arith.constant 0 : index
    %get3A_670 = vector.load %arg2[%get3A_667, %get3A_668, %get3A_669] : memref<16x4x1664xf32, #tpu.memory_space<vmem>>, vector<1x4x1664xf32>
    %get3A_671 = vector.shape_cast %get3A_670 : vector<1x4x1664xf32> to vector<4x1664xf32>
    %reduce_min3A_672 = arith.constant dense<0x7F800000> : vector<1664xf32>
    %reduce_min3A_673 = vector.multi_reduction <minimumf>, %get3A_666, %reduce_min3A_672 [0] : vector<4x1664xf32> to vector<1664xf32>
    %broadcast_in_dim3A_674 = vector.shape_cast %reduce_min3A_673 : vector<1664xf32> to vector<1x1664xf32>
    %reduce_max3A_675 = arith.constant dense<0xFF800000> : vector<1664xf32>
    %reduce_max3A_676 = vector.multi_reduction <maximumf>, %get3A_666, %reduce_max3A_675 [0] : vector<4x1664xf32> to vector<1664xf32>
    %broadcast_in_dim3A_677 = vector.shape_cast %reduce_max3A_676 : vector<1664xf32> to vector<1x1664xf32>
    %reduce_min3A_678 = arith.constant dense<0x7F800000> : vector<1664xf32>
    %reduce_min3A_679 = vector.multi_reduction <minimumf>, %get3A_671, %reduce_min3A_678 [0] : vector<4x1664xf32> to vector<1664xf32>
    %broadcast_in_dim3A_680 = vector.shape_cast %reduce_min3A_679 : vector<1664xf32> to vector<1x1664xf32>
    %reduce_max3A_681 = arith.constant dense<0xFF800000> : vector<1664xf32>
    %reduce_max3A_682 = vector.multi_reduction <maximumf>, %get3A_671, %reduce_max3A_681 [0] : vector<4x1664xf32> to vector<1664xf32>
    %broadcast_in_dim3A_683 = vector.shape_cast %reduce_max3A_682 : vector<1664xf32> to vector<1x1664xf32>
    %get3A_684 = arith.constant 10 : index
    %get3A_685 = arith.constant 0 : index
    %get3A_686 = arith.constant 0 : index
    %get3A_687 = vector.load %arg3[%get3A_684, %get3A_685, %get3A_686] : memref<16x1x1664xf32, #tpu.memory_space<vmem>>, vector<1x1x1664xf32>
    %get3A_688 = vector.shape_cast %get3A_687 : vector<1x1x1664xf32> to vector<1x1664xf32>
    %sub3A_689 = arith.subf %broadcast_in_dim3A_677, %broadcast_in_dim3A_674 : vector<1x1664xf32>
    %add3A_690 = arith.constant 9.99999993E-9 : f32
    %add3A_691 = vector.broadcast %add3A_690 : f32 to vector<1x1664xf32>
    %add3A_692 = arith.addf %sub3A_689, %add3A_691 : vector<1x1664xf32>
    %div3A_693 = arith.divf %get3A_688, %add3A_692 : vector<1x1664xf32>
    %sub3A_694 = arith.subf %broadcast_in_dim3A_683, %broadcast_in_dim3A_680 : vector<1x1664xf32>
    %add3A_695 = arith.constant 9.99999993E-9 : f32
    %add3A_696 = vector.broadcast %add3A_695 : f32 to vector<1x1664xf32>
    %add3A_697 = arith.addf %sub3A_694, %add3A_696 : vector<1x1664xf32>
    %div3A_698 = arith.divf %get3A_688, %add3A_697 : vector<1x1664xf32>
    %min3A_699 = vector.broadcast %broadcast_in_dim3A_677 : vector<1x1664xf32> to vector<256x1664xf32>
    %min3A_700 = vector.broadcast %add3A_3 : vector<256x1xf32> to vector<256x1664xf32>
    %min3A_701 = arith.minimumf %min3A_699, %min3A_700 : vector<256x1664xf32>
    %max3A_702 = vector.broadcast %broadcast_in_dim3A_674 : vector<1x1664xf32> to vector<256x1664xf32>
    %max3A_703 = vector.broadcast %mul3A_1 : vector<256x1xf32> to vector<256x1664xf32>
    %max3A_704 = arith.maximumf %max3A_702, %max3A_703 : vector<256x1664xf32>
    %sub3A_705 = arith.subf %min3A_701, %max3A_704 : vector<256x1664xf32>
    %jit3A_706 = arith.constant 0.000000e+00 : f32
    %max3A_707 = vector.broadcast %jit3A_706 : f32 to vector<256x1664xf32>
    %max3A_708 = arith.maximumf %max3A_707, %sub3A_705 : vector<256x1664xf32>
    %min3A_709 = vector.broadcast %broadcast_in_dim3A_683 : vector<1x1664xf32> to vector<256x1664xf32>
    %min3A_710 = vector.broadcast %add3A_3 : vector<256x1xf32> to vector<256x1664xf32>
    %min3A_711 = arith.minimumf %min3A_709, %min3A_710 : vector<256x1664xf32>
    %max3A_712 = vector.broadcast %broadcast_in_dim3A_680 : vector<1x1664xf32> to vector<256x1664xf32>
    %max3A_713 = vector.broadcast %mul3A_1 : vector<256x1xf32> to vector<256x1664xf32>
    %max3A_714 = arith.maximumf %max3A_712, %max3A_713 : vector<256x1664xf32>
    %sub3A_715 = arith.subf %min3A_711, %max3A_714 : vector<256x1664xf32>
    %jit3A_716 = arith.constant 0.000000e+00 : f32
    %max3A_717 = vector.broadcast %jit3A_716 : f32 to vector<256x1664xf32>
    %max3A_718 = arith.maximumf %max3A_717, %sub3A_715 : vector<256x1664xf32>
    %mul3A_719 = vector.broadcast %div3A_698 : vector<1x1664xf32> to vector<256x1664xf32>
    %mul3A_720 = arith.mulf %max3A_718, %mul3A_719 : vector<256x1664xf32>
    %dot_general3A_721 = arith.constant dense<0.000000e+00> : vector<256x256xf32>
    %dot_general3A_722 = tpu.matmul %max3A_708, %mul3A_720, %dot_general3A_721 {dimension_numbers = #tpu.dot_dimension_numbers<[1], [1], [0], [0], [0, 0, 1, 0], [], []>, transpose_lhs_hint = false} : vector<256x1664xf32>, vector<256x1664xf32>, vector<256x256xf32> -> vector<256x256xf32>
    %mul3A_723 = vector.broadcast %div3A_693 : vector<1x1664xf32> to vector<256x1664xf32>
    %mul3A_724 = arith.mulf %max3A_708, %mul3A_723 : vector<256x1664xf32>
    %dot_general3A_725 = arith.constant dense<0.000000e+00> : vector<256x256xf32>
    %dot_general3A_726 = tpu.matmul %mul3A_724, %max3A_718, %dot_general3A_725 {dimension_numbers = #tpu.dot_dimension_numbers<[1], [1], [0], [0], [0, 0, 1, 0], [], []>, transpose_lhs_hint = false} : vector<256x1664xf32>, vector<256x1664xf32>, vector<256x256xf32> -> vector<256x256xf32>
    %add3A_727 = arith.addf %add3A_660, %dot_general3A_722 : vector<256x256xf32>
    %add3A_728 = arith.addf %add3A_661, %dot_general3A_726 : vector<256x256xf32>
    %get3A_729 = arith.constant 11 : index
    %get3A_730 = arith.constant 0 : index
    %get3A_731 = arith.constant 0 : index
    %get3A_732 = vector.load %arg1[%get3A_729, %get3A_730, %get3A_731] : memref<16x4x1664xf32, #tpu.memory_space<vmem>>, vector<1x4x1664xf32>
    %get3A_733 = vector.shape_cast %get3A_732 : vector<1x4x1664xf32> to vector<4x1664xf32>
    %get3A_734 = arith.constant 11 : index
    %get3A_735 = arith.constant 0 : index
    %get3A_736 = arith.constant 0 : index
    %get3A_737 = vector.load %arg2[%get3A_734, %get3A_735, %get3A_736] : memref<16x4x1664xf32, #tpu.memory_space<vmem>>, vector<1x4x1664xf32>
    %get3A_738 = vector.shape_cast %get3A_737 : vector<1x4x1664xf32> to vector<4x1664xf32>
    %reduce_min3A_739 = arith.constant dense<0x7F800000> : vector<1664xf32>
    %reduce_min3A_740 = vector.multi_reduction <minimumf>, %get3A_733, %reduce_min3A_739 [0] : vector<4x1664xf32> to vector<1664xf32>
    %broadcast_in_dim3A_741 = vector.shape_cast %reduce_min3A_740 : vector<1664xf32> to vector<1x1664xf32>
    %reduce_max3A_742 = arith.constant dense<0xFF800000> : vector<1664xf32>
    %reduce_max3A_743 = vector.multi_reduction <maximumf>, %get3A_733, %reduce_max3A_742 [0] : vector<4x1664xf32> to vector<1664xf32>
    %broadcast_in_dim3A_744 = vector.shape_cast %reduce_max3A_743 : vector<1664xf32> to vector<1x1664xf32>
    %reduce_min3A_745 = arith.constant dense<0x7F800000> : vector<1664xf32>
    %reduce_min3A_746 = vector.multi_reduction <minimumf>, %get3A_738, %reduce_min3A_745 [0] : vector<4x1664xf32> to vector<1664xf32>
    %broadcast_in_dim3A_747 = vector.shape_cast %reduce_min3A_746 : vector<1664xf32> to vector<1x1664xf32>
    %reduce_max3A_748 = arith.constant dense<0xFF800000> : vector<1664xf32>
    %reduce_max3A_749 = vector.multi_reduction <maximumf>, %get3A_738, %reduce_max3A_748 [0] : vector<4x1664xf32> to vector<1664xf32>
    %broadcast_in_dim3A_750 = vector.shape_cast %reduce_max3A_749 : vector<1664xf32> to vector<1x1664xf32>
    %get3A_751 = arith.constant 11 : index
    %get3A_752 = arith.constant 0 : index
    %get3A_753 = arith.constant 0 : index
    %get3A_754 = vector.load %arg3[%get3A_751, %get3A_752, %get3A_753] : memref<16x1x1664xf32, #tpu.memory_space<vmem>>, vector<1x1x1664xf32>
    %get3A_755 = vector.shape_cast %get3A_754 : vector<1x1x1664xf32> to vector<1x1664xf32>
    %sub3A_756 = arith.subf %broadcast_in_dim3A_744, %broadcast_in_dim3A_741 : vector<1x1664xf32>
    %add3A_757 = arith.constant 9.99999993E-9 : f32
    %add3A_758 = vector.broadcast %add3A_757 : f32 to vector<1x1664xf32>
    %add3A_759 = arith.addf %sub3A_756, %add3A_758 : vector<1x1664xf32>
    %div3A_760 = arith.divf %get3A_755, %add3A_759 : vector<1x1664xf32>
    %sub3A_761 = arith.subf %broadcast_in_dim3A_750, %broadcast_in_dim3A_747 : vector<1x1664xf32>
    %add3A_762 = arith.constant 9.99999993E-9 : f32
    %add3A_763 = vector.broadcast %add3A_762 : f32 to vector<1x1664xf32>
    %add3A_764 = arith.addf %sub3A_761, %add3A_763 : vector<1x1664xf32>
    %div3A_765 = arith.divf %get3A_755, %add3A_764 : vector<1x1664xf32>
    %min3A_766 = vector.broadcast %broadcast_in_dim3A_744 : vector<1x1664xf32> to vector<256x1664xf32>
    %min3A_767 = vector.broadcast %add3A_3 : vector<256x1xf32> to vector<256x1664xf32>
    %min3A_768 = arith.minimumf %min3A_766, %min3A_767 : vector<256x1664xf32>
    %max3A_769 = vector.broadcast %broadcast_in_dim3A_741 : vector<1x1664xf32> to vector<256x1664xf32>
    %max3A_770 = vector.broadcast %mul3A_1 : vector<256x1xf32> to vector<256x1664xf32>
    %max3A_771 = arith.maximumf %max3A_769, %max3A_770 : vector<256x1664xf32>
    %sub3A_772 = arith.subf %min3A_768, %max3A_771 : vector<256x1664xf32>
    %jit3A_773 = arith.constant 0.000000e+00 : f32
    %max3A_774 = vector.broadcast %jit3A_773 : f32 to vector<256x1664xf32>
    %max3A_775 = arith.maximumf %max3A_774, %sub3A_772 : vector<256x1664xf32>
    %min3A_776 = vector.broadcast %broadcast_in_dim3A_750 : vector<1x1664xf32> to vector<256x1664xf32>
    %min3A_777 = vector.broadcast %add3A_3 : vector<256x1xf32> to vector<256x1664xf32>
    %min3A_778 = arith.minimumf %min3A_776, %min3A_777 : vector<256x1664xf32>
    %max3A_779 = vector.broadcast %broadcast_in_dim3A_747 : vector<1x1664xf32> to vector<256x1664xf32>
    %max3A_780 = vector.broadcast %mul3A_1 : vector<256x1xf32> to vector<256x1664xf32>
    %max3A_781 = arith.maximumf %max3A_779, %max3A_780 : vector<256x1664xf32>
    %sub3A_782 = arith.subf %min3A_778, %max3A_781 : vector<256x1664xf32>
    %jit3A_783 = arith.constant 0.000000e+00 : f32
    %max3A_784 = vector.broadcast %jit3A_783 : f32 to vector<256x1664xf32>
    %max3A_785 = arith.maximumf %max3A_784, %sub3A_782 : vector<256x1664xf32>
    %mul3A_786 = vector.broadcast %div3A_765 : vector<1x1664xf32> to vector<256x1664xf32>
    %mul3A_787 = arith.mulf %max3A_785, %mul3A_786 : vector<256x1664xf32>
    %dot_general3A_788 = arith.constant dense<0.000000e+00> : vector<256x256xf32>
    %dot_general3A_789 = tpu.matmul %max3A_775, %mul3A_787, %dot_general3A_788 {dimension_numbers = #tpu.dot_dimension_numbers<[1], [1], [0], [0], [0, 0, 1, 0], [], []>, transpose_lhs_hint = false} : vector<256x1664xf32>, vector<256x1664xf32>, vector<256x256xf32> -> vector<256x256xf32>
    %mul3A_790 = vector.broadcast %div3A_760 : vector<1x1664xf32> to vector<256x1664xf32>
    %mul3A_791 = arith.mulf %max3A_775, %mul3A_790 : vector<256x1664xf32>
    %dot_general3A_792 = arith.constant dense<0.000000e+00> : vector<256x256xf32>
    %dot_general3A_793 = tpu.matmul %mul3A_791, %max3A_785, %dot_general3A_792 {dimension_numbers = #tpu.dot_dimension_numbers<[1], [1], [0], [0], [0, 0, 1, 0], [], []>, transpose_lhs_hint = false} : vector<256x1664xf32>, vector<256x1664xf32>, vector<256x256xf32> -> vector<256x256xf32>
    %add3A_794 = arith.addf %add3A_727, %dot_general3A_789 : vector<256x256xf32>
    %add3A_795 = arith.addf %add3A_728, %dot_general3A_793 : vector<256x256xf32>
    %get3A_796 = arith.constant 12 : index
    %get3A_797 = arith.constant 0 : index
    %get3A_798 = arith.constant 0 : index
    %get3A_799 = vector.load %arg1[%get3A_796, %get3A_797, %get3A_798] : memref<16x4x1664xf32, #tpu.memory_space<vmem>>, vector<1x4x1664xf32>
    %get3A_800 = vector.shape_cast %get3A_799 : vector<1x4x1664xf32> to vector<4x1664xf32>
    %get3A_801 = arith.constant 12 : index
    %get3A_802 = arith.constant 0 : index
    %get3A_803 = arith.constant 0 : index
    %get3A_804 = vector.load %arg2[%get3A_801, %get3A_802, %get3A_803] : memref<16x4x1664xf32, #tpu.memory_space<vmem>>, vector<1x4x1664xf32>
    %get3A_805 = vector.shape_cast %get3A_804 : vector<1x4x1664xf32> to vector<4x1664xf32>
    %reduce_min3A_806 = arith.constant dense<0x7F800000> : vector<1664xf32>
    %reduce_min3A_807 = vector.multi_reduction <minimumf>, %get3A_800, %reduce_min3A_806 [0] : vector<4x1664xf32> to vector<1664xf32>
    %broadcast_in_dim3A_808 = vector.shape_cast %reduce_min3A_807 : vector<1664xf32> to vector<1x1664xf32>
    %reduce_max3A_809 = arith.constant dense<0xFF800000> : vector<1664xf32>
    %reduce_max3A_810 = vector.multi_reduction <maximumf>, %get3A_800, %reduce_max3A_809 [0] : vector<4x1664xf32> to vector<1664xf32>
    %broadcast_in_dim3A_811 = vector.shape_cast %reduce_max3A_810 : vector<1664xf32> to vector<1x1664xf32>
    %reduce_min3A_812 = arith.constant dense<0x7F800000> : vector<1664xf32>
    %reduce_min3A_813 = vector.multi_reduction <minimumf>, %get3A_805, %reduce_min3A_812 [0] : vector<4x1664xf32> to vector<1664xf32>
    %broadcast_in_dim3A_814 = vector.shape_cast %reduce_min3A_813 : vector<1664xf32> to vector<1x1664xf32>
    %reduce_max3A_815 = arith.constant dense<0xFF800000> : vector<1664xf32>
    %reduce_max3A_816 = vector.multi_reduction <maximumf>, %get3A_805, %reduce_max3A_815 [0] : vector<4x1664xf32> to vector<1664xf32>
    %broadcast_in_dim3A_817 = vector.shape_cast %reduce_max3A_816 : vector<1664xf32> to vector<1x1664xf32>
    %get3A_818 = arith.constant 12 : index
    %get3A_819 = arith.constant 0 : index
    %get3A_820 = arith.constant 0 : index
    %get3A_821 = vector.load %arg3[%get3A_818, %get3A_819, %get3A_820] : memref<16x1x1664xf32, #tpu.memory_space<vmem>>, vector<1x1x1664xf32>
    %get3A_822 = vector.shape_cast %get3A_821 : vector<1x1x1664xf32> to vector<1x1664xf32>
    %sub3A_823 = arith.subf %broadcast_in_dim3A_811, %broadcast_in_dim3A_808 : vector<1x1664xf32>
    %add3A_824 = arith.constant 9.99999993E-9 : f32
    %add3A_825 = vector.broadcast %add3A_824 : f32 to vector<1x1664xf32>
    %add3A_826 = arith.addf %sub3A_823, %add3A_825 : vector<1x1664xf32>
    %div3A_827 = arith.divf %get3A_822, %add3A_826 : vector<1x1664xf32>
    %sub3A_828 = arith.subf %broadcast_in_dim3A_817, %broadcast_in_dim3A_814 : vector<1x1664xf32>
    %add3A_829 = arith.constant 9.99999993E-9 : f32
    %add3A_830 = vector.broadcast %add3A_829 : f32 to vector<1x1664xf32>
    %add3A_831 = arith.addf %sub3A_828, %add3A_830 : vector<1x1664xf32>
    %div3A_832 = arith.divf %get3A_822, %add3A_831 : vector<1x1664xf32>
    %min3A_833 = vector.broadcast %broadcast_in_dim3A_811 : vector<1x1664xf32> to vector<256x1664xf32>
    %min3A_834 = vector.broadcast %add3A_3 : vector<256x1xf32> to vector<256x1664xf32>
    %min3A_835 = arith.minimumf %min3A_833, %min3A_834 : vector<256x1664xf32>
    %max3A_836 = vector.broadcast %broadcast_in_dim3A_808 : vector<1x1664xf32> to vector<256x1664xf32>
    %max3A_837 = vector.broadcast %mul3A_1 : vector<256x1xf32> to vector<256x1664xf32>
    %max3A_838 = arith.maximumf %max3A_836, %max3A_837 : vector<256x1664xf32>
    %sub3A_839 = arith.subf %min3A_835, %max3A_838 : vector<256x1664xf32>
    %jit3A_840 = arith.constant 0.000000e+00 : f32
    %max3A_841 = vector.broadcast %jit3A_840 : f32 to vector<256x1664xf32>
    %max3A_842 = arith.maximumf %max3A_841, %sub3A_839 : vector<256x1664xf32>
    %min3A_843 = vector.broadcast %broadcast_in_dim3A_817 : vector<1x1664xf32> to vector<256x1664xf32>
    %min3A_844 = vector.broadcast %add3A_3 : vector<256x1xf32> to vector<256x1664xf32>
    %min3A_845 = arith.minimumf %min3A_843, %min3A_844 : vector<256x1664xf32>
    %max3A_846 = vector.broadcast %broadcast_in_dim3A_814 : vector<1x1664xf32> to vector<256x1664xf32>
    %max3A_847 = vector.broadcast %mul3A_1 : vector<256x1xf32> to vector<256x1664xf32>
    %max3A_848 = arith.maximumf %max3A_846, %max3A_847 : vector<256x1664xf32>
    %sub3A_849 = arith.subf %min3A_845, %max3A_848 : vector<256x1664xf32>
    %jit3A_850 = arith.constant 0.000000e+00 : f32
    %max3A_851 = vector.broadcast %jit3A_850 : f32 to vector<256x1664xf32>
    %max3A_852 = arith.maximumf %max3A_851, %sub3A_849 : vector<256x1664xf32>
    %mul3A_853 = vector.broadcast %div3A_832 : vector<1x1664xf32> to vector<256x1664xf32>
    %mul3A_854 = arith.mulf %max3A_852, %mul3A_853 : vector<256x1664xf32>
    %dot_general3A_855 = arith.constant dense<0.000000e+00> : vector<256x256xf32>
    %dot_general3A_856 = tpu.matmul %max3A_842, %mul3A_854, %dot_general3A_855 {dimension_numbers = #tpu.dot_dimension_numbers<[1], [1], [0], [0], [0, 0, 1, 0], [], []>, transpose_lhs_hint = false} : vector<256x1664xf32>, vector<256x1664xf32>, vector<256x256xf32> -> vector<256x256xf32>
    %mul3A_857 = vector.broadcast %div3A_827 : vector<1x1664xf32> to vector<256x1664xf32>
    %mul3A_858 = arith.mulf %max3A_842, %mul3A_857 : vector<256x1664xf32>
    %dot_general3A_859 = arith.constant dense<0.000000e+00> : vector<256x256xf32>
    %dot_general3A_860 = tpu.matmul %mul3A_858, %max3A_852, %dot_general3A_859 {dimension_numbers = #tpu.dot_dimension_numbers<[1], [1], [0], [0], [0, 0, 1, 0], [], []>, transpose_lhs_hint = false} : vector<256x1664xf32>, vector<256x1664xf32>, vector<256x256xf32> -> vector<256x256xf32>
    %add3A_861 = arith.addf %add3A_794, %dot_general3A_856 : vector<256x256xf32>
    %add3A_862 = arith.addf %add3A_795, %dot_general3A_860 : vector<256x256xf32>
    %get3A_863 = arith.constant 13 : index
    %get3A_864 = arith.constant 0 : index
    %get3A_865 = arith.constant 0 : index
    %get3A_866 = vector.load %arg1[%get3A_863, %get3A_864, %get3A_865] : memref<16x4x1664xf32, #tpu.memory_space<vmem>>, vector<1x4x1664xf32>
    %get3A_867 = vector.shape_cast %get3A_866 : vector<1x4x1664xf32> to vector<4x1664xf32>
    %get3A_868 = arith.constant 13 : index
    %get3A_869 = arith.constant 0 : index
    %get3A_870 = arith.constant 0 : index
    %get3A_871 = vector.load %arg2[%get3A_868, %get3A_869, %get3A_870] : memref<16x4x1664xf32, #tpu.memory_space<vmem>>, vector<1x4x1664xf32>
    %get3A_872 = vector.shape_cast %get3A_871 : vector<1x4x1664xf32> to vector<4x1664xf32>
    %reduce_min3A_873 = arith.constant dense<0x7F800000> : vector<1664xf32>
    %reduce_min3A_874 = vector.multi_reduction <minimumf>, %get3A_867, %reduce_min3A_873 [0] : vector<4x1664xf32> to vector<1664xf32>
    %broadcast_in_dim3A_875 = vector.shape_cast %reduce_min3A_874 : vector<1664xf32> to vector<1x1664xf32>
    %reduce_max3A_876 = arith.constant dense<0xFF800000> : vector<1664xf32>
    %reduce_max3A_877 = vector.multi_reduction <maximumf>, %get3A_867, %reduce_max3A_876 [0] : vector<4x1664xf32> to vector<1664xf32>
    %broadcast_in_dim3A_878 = vector.shape_cast %reduce_max3A_877 : vector<1664xf32> to vector<1x1664xf32>
    %reduce_min3A_879 = arith.constant dense<0x7F800000> : vector<1664xf32>
    %reduce_min3A_880 = vector.multi_reduction <minimumf>, %get3A_872, %reduce_min3A_879 [0] : vector<4x1664xf32> to vector<1664xf32>
    %broadcast_in_dim3A_881 = vector.shape_cast %reduce_min3A_880 : vector<1664xf32> to vector<1x1664xf32>
    %reduce_max3A_882 = arith.constant dense<0xFF800000> : vector<1664xf32>
    %reduce_max3A_883 = vector.multi_reduction <maximumf>, %get3A_872, %reduce_max3A_882 [0] : vector<4x1664xf32> to vector<1664xf32>
    %broadcast_in_dim3A_884 = vector.shape_cast %reduce_max3A_883 : vector<1664xf32> to vector<1x1664xf32>
    %get3A_885 = arith.constant 13 : index
    %get3A_886 = arith.constant 0 : index
    %get3A_887 = arith.constant 0 : index
    %get3A_888 = vector.load %arg3[%get3A_885, %get3A_886, %get3A_887] : memref<16x1x1664xf32, #tpu.memory_space<vmem>>, vector<1x1x1664xf32>
    %get3A_889 = vector.shape_cast %get3A_888 : vector<1x1x1664xf32> to vector<1x1664xf32>
    %sub3A_890 = arith.subf %broadcast_in_dim3A_878, %broadcast_in_dim3A_875 : vector<1x1664xf32>
    %add3A_891 = arith.constant 9.99999993E-9 : f32
    %add3A_892 = vector.broadcast %add3A_891 : f32 to vector<1x1664xf32>
    %add3A_893 = arith.addf %sub3A_890, %add3A_892 : vector<1x1664xf32>
    %div3A_894 = arith.divf %get3A_889, %add3A_893 : vector<1x1664xf32>
    %sub3A_895 = arith.subf %broadcast_in_dim3A_884, %broadcast_in_dim3A_881 : vector<1x1664xf32>
    %add3A_896 = arith.constant 9.99999993E-9 : f32
    %add3A_897 = vector.broadcast %add3A_896 : f32 to vector<1x1664xf32>
    %add3A_898 = arith.addf %sub3A_895, %add3A_897 : vector<1x1664xf32>
    %div3A_899 = arith.divf %get3A_889, %add3A_898 : vector<1x1664xf32>
    %min3A_900 = vector.broadcast %broadcast_in_dim3A_878 : vector<1x1664xf32> to vector<256x1664xf32>
    %min3A_901 = vector.broadcast %add3A_3 : vector<256x1xf32> to vector<256x1664xf32>
    %min3A_902 = arith.minimumf %min3A_900, %min3A_901 : vector<256x1664xf32>
    %max3A_903 = vector.broadcast %broadcast_in_dim3A_875 : vector<1x1664xf32> to vector<256x1664xf32>
    %max3A_904 = vector.broadcast %mul3A_1 : vector<256x1xf32> to vector<256x1664xf32>
    %max3A_905 = arith.maximumf %max3A_903, %max3A_904 : vector<256x1664xf32>
    %sub3A_906 = arith.subf %min3A_902, %max3A_905 : vector<256x1664xf32>
    %jit3A_907 = arith.constant 0.000000e+00 : f32
    %max3A_908 = vector.broadcast %jit3A_907 : f32 to vector<256x1664xf32>
    %max3A_909 = arith.maximumf %max3A_908, %sub3A_906 : vector<256x1664xf32>
    %min3A_910 = vector.broadcast %broadcast_in_dim3A_884 : vector<1x1664xf32> to vector<256x1664xf32>
    %min3A_911 = vector.broadcast %add3A_3 : vector<256x1xf32> to vector<256x1664xf32>
    %min3A_912 = arith.minimumf %min3A_910, %min3A_911 : vector<256x1664xf32>
    %max3A_913 = vector.broadcast %broadcast_in_dim3A_881 : vector<1x1664xf32> to vector<256x1664xf32>
    %max3A_914 = vector.broadcast %mul3A_1 : vector<256x1xf32> to vector<256x1664xf32>
    %max3A_915 = arith.maximumf %max3A_913, %max3A_914 : vector<256x1664xf32>
    %sub3A_916 = arith.subf %min3A_912, %max3A_915 : vector<256x1664xf32>
    %jit3A_917 = arith.constant 0.000000e+00 : f32
    %max3A_918 = vector.broadcast %jit3A_917 : f32 to vector<256x1664xf32>
    %max3A_919 = arith.maximumf %max3A_918, %sub3A_916 : vector<256x1664xf32>
    %mul3A_920 = vector.broadcast %div3A_899 : vector<1x1664xf32> to vector<256x1664xf32>
    %mul3A_921 = arith.mulf %max3A_919, %mul3A_920 : vector<256x1664xf32>
    %dot_general3A_922 = arith.constant dense<0.000000e+00> : vector<256x256xf32>
    %dot_general3A_923 = tpu.matmul %max3A_909, %mul3A_921, %dot_general3A_922 {dimension_numbers = #tpu.dot_dimension_numbers<[1], [1], [0], [0], [0, 0, 1, 0], [], []>, transpose_lhs_hint = false} : vector<256x1664xf32>, vector<256x1664xf32>, vector<256x256xf32> -> vector<256x256xf32>
    %mul3A_924 = vector.broadcast %div3A_894 : vector<1x1664xf32> to vector<256x1664xf32>
    %mul3A_925 = arith.mulf %max3A_909, %mul3A_924 : vector<256x1664xf32>
    %dot_general3A_926 = arith.constant dense<0.000000e+00> : vector<256x256xf32>
    %dot_general3A_927 = tpu.matmul %mul3A_925, %max3A_919, %dot_general3A_926 {dimension_numbers = #tpu.dot_dimension_numbers<[1], [1], [0], [0], [0, 0, 1, 0], [], []>, transpose_lhs_hint = false} : vector<256x1664xf32>, vector<256x1664xf32>, vector<256x256xf32> -> vector<256x256xf32>
    %add3A_928 = arith.addf %add3A_861, %dot_general3A_923 : vector<256x256xf32>
    %add3A_929 = arith.addf %add3A_862, %dot_general3A_927 : vector<256x256xf32>
    %get3A_930 = arith.constant 14 : index
    %get3A_931 = arith.constant 0 : index
    %get3A_932 = arith.constant 0 : index
    %get3A_933 = vector.load %arg1[%get3A_930, %get3A_931, %get3A_932] : memref<16x4x1664xf32, #tpu.memory_space<vmem>>, vector<1x4x1664xf32>
    %get3A_934 = vector.shape_cast %get3A_933 : vector<1x4x1664xf32> to vector<4x1664xf32>
    %get3A_935 = arith.constant 14 : index
    %get3A_936 = arith.constant 0 : index
    %get3A_937 = arith.constant 0 : index
    %get3A_938 = vector.load %arg2[%get3A_935, %get3A_936, %get3A_937] : memref<16x4x1664xf32, #tpu.memory_space<vmem>>, vector<1x4x1664xf32>
    %get3A_939 = vector.shape_cast %get3A_938 : vector<1x4x1664xf32> to vector<4x1664xf32>
    %reduce_min3A_940 = arith.constant dense<0x7F800000> : vector<1664xf32>
    %reduce_min3A_941 = vector.multi_reduction <minimumf>, %get3A_934, %reduce_min3A_940 [0] : vector<4x1664xf32> to vector<1664xf32>
    %broadcast_in_dim3A_942 = vector.shape_cast %reduce_min3A_941 : vector<1664xf32> to vector<1x1664xf32>
    %reduce_max3A_943 = arith.constant dense<0xFF800000> : vector<1664xf32>
    %reduce_max3A_944 = vector.multi_reduction <maximumf>, %get3A_934, %reduce_max3A_943 [0] : vector<4x1664xf32> to vector<1664xf32>
    %broadcast_in_dim3A_945 = vector.shape_cast %reduce_max3A_944 : vector<1664xf32> to vector<1x1664xf32>
    %reduce_min3A_946 = arith.constant dense<0x7F800000> : vector<1664xf32>
    %reduce_min3A_947 = vector.multi_reduction <minimumf>, %get3A_939, %reduce_min3A_946 [0] : vector<4x1664xf32> to vector<1664xf32>
    %broadcast_in_dim3A_948 = vector.shape_cast %reduce_min3A_947 : vector<1664xf32> to vector<1x1664xf32>
    %reduce_max3A_949 = arith.constant dense<0xFF800000> : vector<1664xf32>
    %reduce_max3A_950 = vector.multi_reduction <maximumf>, %get3A_939, %reduce_max3A_949 [0] : vector<4x1664xf32> to vector<1664xf32>
    %broadcast_in_dim3A_951 = vector.shape_cast %reduce_max3A_950 : vector<1664xf32> to vector<1x1664xf32>
    %get3A_952 = arith.constant 14 : index
    %get3A_953 = arith.constant 0 : index
    %get3A_954 = arith.constant 0 : index
    %get3A_955 = vector.load %arg3[%get3A_952, %get3A_953, %get3A_954] : memref<16x1x1664xf32, #tpu.memory_space<vmem>>, vector<1x1x1664xf32>
    %get3A_956 = vector.shape_cast %get3A_955 : vector<1x1x1664xf32> to vector<1x1664xf32>
    %sub3A_957 = arith.subf %broadcast_in_dim3A_945, %broadcast_in_dim3A_942 : vector<1x1664xf32>
    %add3A_958 = arith.constant 9.99999993E-9 : f32
    %add3A_959 = vector.broadcast %add3A_958 : f32 to vector<1x1664xf32>
    %add3A_960 = arith.addf %sub3A_957, %add3A_959 : vector<1x1664xf32>
    %div3A_961 = arith.divf %get3A_956, %add3A_960 : vector<1x1664xf32>
    %sub3A_962 = arith.subf %broadcast_in_dim3A_951, %broadcast_in_dim3A_948 : vector<1x1664xf32>
    %add3A_963 = arith.constant 9.99999993E-9 : f32
    %add3A_964 = vector.broadcast %add3A_963 : f32 to vector<1x1664xf32>
    %add3A_965 = arith.addf %sub3A_962, %add3A_964 : vector<1x1664xf32>
    %div3A_966 = arith.divf %get3A_956, %add3A_965 : vector<1x1664xf32>
    %min3A_967 = vector.broadcast %broadcast_in_dim3A_945 : vector<1x1664xf32> to vector<256x1664xf32>
    %min3A_968 = vector.broadcast %add3A_3 : vector<256x1xf32> to vector<256x1664xf32>
    %min3A_969 = arith.minimumf %min3A_967, %min3A_968 : vector<256x1664xf32>
    %max3A_970 = vector.broadcast %broadcast_in_dim3A_942 : vector<1x1664xf32> to vector<256x1664xf32>
    %max3A_971 = vector.broadcast %mul3A_1 : vector<256x1xf32> to vector<256x1664xf32>
    %max3A_972 = arith.maximumf %max3A_970, %max3A_971 : vector<256x1664xf32>
    %sub3A_973 = arith.subf %min3A_969, %max3A_972 : vector<256x1664xf32>
    %jit3A_974 = arith.constant 0.000000e+00 : f32
    %max3A_975 = vector.broadcast %jit3A_974 : f32 to vector<256x1664xf32>
    %max3A_976 = arith.maximumf %max3A_975, %sub3A_973 : vector<256x1664xf32>
    %min3A_977 = vector.broadcast %broadcast_in_dim3A_951 : vector<1x1664xf32> to vector<256x1664xf32>
    %min3A_978 = vector.broadcast %add3A_3 : vector<256x1xf32> to vector<256x1664xf32>
    %min3A_979 = arith.minimumf %min3A_977, %min3A_978 : vector<256x1664xf32>
    %max3A_980 = vector.broadcast %broadcast_in_dim3A_948 : vector<1x1664xf32> to vector<256x1664xf32>
    %max3A_981 = vector.broadcast %mul3A_1 : vector<256x1xf32> to vector<256x1664xf32>
    %max3A_982 = arith.maximumf %max3A_980, %max3A_981 : vector<256x1664xf32>
    %sub3A_983 = arith.subf %min3A_979, %max3A_982 : vector<256x1664xf32>
    %jit3A_984 = arith.constant 0.000000e+00 : f32
    %max3A_985 = vector.broadcast %jit3A_984 : f32 to vector<256x1664xf32>
    %max3A_986 = arith.maximumf %max3A_985, %sub3A_983 : vector<256x1664xf32>
    %mul3A_987 = vector.broadcast %div3A_966 : vector<1x1664xf32> to vector<256x1664xf32>
    %mul3A_988 = arith.mulf %max3A_986, %mul3A_987 : vector<256x1664xf32>
    %dot_general3A_989 = arith.constant dense<0.000000e+00> : vector<256x256xf32>
    %dot_general3A_990 = tpu.matmul %max3A_976, %mul3A_988, %dot_general3A_989 {dimension_numbers = #tpu.dot_dimension_numbers<[1], [1], [0], [0], [0, 0, 1, 0], [], []>, transpose_lhs_hint = false} : vector<256x1664xf32>, vector<256x1664xf32>, vector<256x256xf32> -> vector<256x256xf32>
    %mul3A_991 = vector.broadcast %div3A_961 : vector<1x1664xf32> to vector<256x1664xf32>
    %mul3A_992 = arith.mulf %max3A_976, %mul3A_991 : vector<256x1664xf32>
    %dot_general3A_993 = arith.constant dense<0.000000e+00> : vector<256x256xf32>
    %dot_general3A_994 = tpu.matmul %mul3A_992, %max3A_986, %dot_general3A_993 {dimension_numbers = #tpu.dot_dimension_numbers<[1], [1], [0], [0], [0, 0, 1, 0], [], []>, transpose_lhs_hint = false} : vector<256x1664xf32>, vector<256x1664xf32>, vector<256x256xf32> -> vector<256x256xf32>
    %add3A_995 = arith.addf %add3A_928, %dot_general3A_990 : vector<256x256xf32>
    %add3A_996 = arith.addf %add3A_929, %dot_general3A_994 : vector<256x256xf32>
    %get3A_997 = arith.constant 15 : index
    %get3A_998 = arith.constant 0 : index
    %get3A_999 = arith.constant 0 : index
    %get3A_1000 = vector.load %arg1[%get3A_997, %get3A_998, %get3A_999] : memref<16x4x1664xf32, #tpu.memory_space<vmem>>, vector<1x4x1664xf32>
    %get3A_1001 = vector.shape_cast %get3A_1000 : vector<1x4x1664xf32> to vector<4x1664xf32>
    %get3A_1002 = arith.constant 15 : index
    %get3A_1003 = arith.constant 0 : index
    %get3A_1004 = arith.constant 0 : index
    %get3A_1005 = vector.load %arg2[%get3A_1002, %get3A_1003, %get3A_1004] : memref<16x4x1664xf32, #tpu.memory_space<vmem>>, vector<1x4x1664xf32>
    %get3A_1006 = vector.shape_cast %get3A_1005 : vector<1x4x1664xf32> to vector<4x1664xf32>
    %reduce_min3A_1007 = arith.constant dense<0x7F800000> : vector<1664xf32>
    %reduce_min3A_1008 = vector.multi_reduction <minimumf>, %get3A_1001, %reduce_min3A_1007 [0] : vector<4x1664xf32> to vector<1664xf32>
    %broadcast_in_dim3A_1009 = vector.shape_cast %reduce_min3A_1008 : vector<1664xf32> to vector<1x1664xf32>
    %reduce_max3A_1010 = arith.constant dense<0xFF800000> : vector<1664xf32>
    %reduce_max3A_1011 = vector.multi_reduction <maximumf>, %get3A_1001, %reduce_max3A_1010 [0] : vector<4x1664xf32> to vector<1664xf32>
    %broadcast_in_dim3A_1012 = vector.shape_cast %reduce_max3A_1011 : vector<1664xf32> to vector<1x1664xf32>
    %reduce_min3A_1013 = arith.constant dense<0x7F800000> : vector<1664xf32>
    %reduce_min3A_1014 = vector.multi_reduction <minimumf>, %get3A_1006, %reduce_min3A_1013 [0] : vector<4x1664xf32> to vector<1664xf32>
    %broadcast_in_dim3A_1015 = vector.shape_cast %reduce_min3A_1014 : vector<1664xf32> to vector<1x1664xf32>
    %reduce_max3A_1016 = arith.constant dense<0xFF800000> : vector<1664xf32>
    %reduce_max3A_1017 = vector.multi_reduction <maximumf>, %get3A_1006, %reduce_max3A_1016 [0] : vector<4x1664xf32> to vector<1664xf32>
    %broadcast_in_dim3A_1018 = vector.shape_cast %reduce_max3A_1017 : vector<1664xf32> to vector<1x1664xf32>
    %get3A_1019 = arith.constant 15 : index
    %get3A_1020 = arith.constant 0 : index
    %get3A_1021 = arith.constant 0 : index
    %get3A_1022 = vector.load %arg3[%get3A_1019, %get3A_1020, %get3A_1021] : memref<16x1x1664xf32, #tpu.memory_space<vmem>>, vector<1x1x1664xf32>
    %get3A_1023 = vector.shape_cast %get3A_1022 : vector<1x1x1664xf32> to vector<1x1664xf32>
    %sub3A_1024 = arith.subf %broadcast_in_dim3A_1012, %broadcast_in_dim3A_1009 : vector<1x1664xf32>
    %add3A_1025 = arith.constant 9.99999993E-9 : f32
    %add3A_1026 = vector.broadcast %add3A_1025 : f32 to vector<1x1664xf32>
    %add3A_1027 = arith.addf %sub3A_1024, %add3A_1026 : vector<1x1664xf32>
    %div3A_1028 = arith.divf %get3A_1023, %add3A_1027 : vector<1x1664xf32>
    %sub3A_1029 = arith.subf %broadcast_in_dim3A_1018, %broadcast_in_dim3A_1015 : vector<1x1664xf32>
    %add3A_1030 = arith.constant 9.99999993E-9 : f32
    %add3A_1031 = vector.broadcast %add3A_1030 : f32 to vector<1x1664xf32>
    %add3A_1032 = arith.addf %sub3A_1029, %add3A_1031 : vector<1x1664xf32>
    %div3A_1033 = arith.divf %get3A_1023, %add3A_1032 : vector<1x1664xf32>
    %min3A_1034 = vector.broadcast %broadcast_in_dim3A_1012 : vector<1x1664xf32> to vector<256x1664xf32>
    %min3A_1035 = vector.broadcast %add3A_3 : vector<256x1xf32> to vector<256x1664xf32>
    %min3A_1036 = arith.minimumf %min3A_1034, %min3A_1035 : vector<256x1664xf32>
    %max3A_1037 = vector.broadcast %broadcast_in_dim3A_1009 : vector<1x1664xf32> to vector<256x1664xf32>
    %max3A_1038 = vector.broadcast %mul3A_1 : vector<256x1xf32> to vector<256x1664xf32>
    %max3A_1039 = arith.maximumf %max3A_1037, %max3A_1038 : vector<256x1664xf32>
    %sub3A_1040 = arith.subf %min3A_1036, %max3A_1039 : vector<256x1664xf32>
    %jit3A_1041 = arith.constant 0.000000e+00 : f32
    %max3A_1042 = vector.broadcast %jit3A_1041 : f32 to vector<256x1664xf32>
    %max3A_1043 = arith.maximumf %max3A_1042, %sub3A_1040 : vector<256x1664xf32>
    %min3A_1044 = vector.broadcast %broadcast_in_dim3A_1018 : vector<1x1664xf32> to vector<256x1664xf32>
    %min3A_1045 = vector.broadcast %add3A_3 : vector<256x1xf32> to vector<256x1664xf32>
    %min3A_1046 = arith.minimumf %min3A_1044, %min3A_1045 : vector<256x1664xf32>
    %max3A_1047 = vector.broadcast %broadcast_in_dim3A_1015 : vector<1x1664xf32> to vector<256x1664xf32>
    %max3A_1048 = vector.broadcast %mul3A_1 : vector<256x1xf32> to vector<256x1664xf32>
    %max3A_1049 = arith.maximumf %max3A_1047, %max3A_1048 : vector<256x1664xf32>
    %sub3A_1050 = arith.subf %min3A_1046, %max3A_1049 : vector<256x1664xf32>
    %jit3A_1051 = arith.constant 0.000000e+00 : f32
    %max3A_1052 = vector.broadcast %jit3A_1051 : f32 to vector<256x1664xf32>
    %max3A_1053 = arith.maximumf %max3A_1052, %sub3A_1050 : vector<256x1664xf32>
    %mul3A_1054 = vector.broadcast %div3A_1033 : vector<1x1664xf32> to vector<256x1664xf32>
    %mul3A_1055 = arith.mulf %max3A_1053, %mul3A_1054 : vector<256x1664xf32>
    %dot_general3A_1056 = arith.constant dense<0.000000e+00> : vector<256x256xf32>
    %dot_general3A_1057 = tpu.matmul %max3A_1043, %mul3A_1055, %dot_general3A_1056 {dimension_numbers = #tpu.dot_dimension_numbers<[1], [1], [0], [0], [0, 0, 1, 0], [], []>, transpose_lhs_hint = false} : vector<256x1664xf32>, vector<256x1664xf32>, vector<256x256xf32> -> vector<256x256xf32>
    %mul3A_1058 = vector.broadcast %div3A_1028 : vector<1x1664xf32> to vector<256x1664xf32>
    %mul3A_1059 = arith.mulf %max3A_1043, %mul3A_1058 : vector<256x1664xf32>
    %dot_general3A_1060 = arith.constant dense<0.000000e+00> : vector<256x256xf32>
    %dot_general3A_1061 = tpu.matmul %mul3A_1059, %max3A_1053, %dot_general3A_1060 {dimension_numbers = #tpu.dot_dimension_numbers<[1], [1], [0], [0], [0, 0, 1, 0], [], []>, transpose_lhs_hint = false} : vector<256x1664xf32>, vector<256x1664xf32>, vector<256x256xf32> -> vector<256x256xf32>
    %add3A_1062 = arith.addf %add3A_995, %dot_general3A_1057 : vector<256x256xf32>
    %add3A_1063 = arith.addf %add3A_996, %dot_general3A_1061 : vector<256x256xf32>
    %eq3A = arith.constant 0 : i32
    %eq3A_1064 = arith.cmpi eq, %arg0, %eq3A : i32
    %convert_element_type3A_1065 = arith.extui %eq3A_1064 : i1 to i32
    %cond3A = arith.constant 0 : i32
    %cond3A_1066 = arith.cmpi ne, %convert_element_type3A_1065, %cond3A : i32
    scf.if %cond3A_1066 {
      %swap3A = arith.constant 0 : index
      %swap3A_1076 = arith.constant 0 : index
      %swap3A_1077 = vector.load %arg7[%swap3A, %swap3A_1076] : memref<256x256xf32, #tpu.memory_space<vmem>>, vector<256x256xf32>
      tpu.vector_store %arg7[%swap3A, %swap3A_1076], %add3A_1062 {strides = array<i32>} : memref<256x256xf32, #tpu.memory_space<vmem>>, vector<256x256xf32>,
      %swap3A_1078 = arith.constant 0 : index
      %swap3A_1079 = arith.constant 0 : index
      %swap3A_1080 = vector.load %arg8[%swap3A_1078, %swap3A_1079] : memref<256x256xf32, #tpu.memory_space<vmem>>, vector<256x256xf32>
      tpu.vector_store %arg8[%swap3A_1078, %swap3A_1079], %add3A_1063 {strides = array<i32>} : memref<256x256xf32, #tpu.memory_space<vmem>>, vector<256x256xf32>,
    } else {
    }
    %gt3A = arith.constant 0 : i32
    %gt3A_1067 = arith.cmpi sgt, %arg0, %gt3A : i32
    %convert_element_type3A_1068 = arith.extui %gt3A_1067 : i1 to i32
    %cond3A_1069 = arith.constant 0 : i32
    %cond3A_1070 = arith.cmpi ne, %convert_element_type3A_1068, %cond3A_1069 : i32
    scf.if %cond3A_1070 {
      %get3A_1076 = arith.constant 0 : index
      %get3A_1077 = arith.constant 0 : index
      %get3A_1078 = vector.load %arg7[%get3A_1076, %get3A_1077] : memref<256x256xf32, #tpu.memory_space<vmem>>, vector<256x256xf32>
      %add3A_1079 = arith.addf %get3A_1078, %add3A_1062 : vector<256x256xf32>
      %swap3A = arith.constant 0 : index
      %swap3A_1080 = arith.constant 0 : index
      %swap3A_1081 = vector.load %arg7[%swap3A, %swap3A_1080] : memref<256x256xf32, #tpu.memory_space<vmem>>, vector<256x256xf32>
      tpu.vector_store %arg7[%swap3A, %swap3A_1080], %add3A_1079 {strides = array<i32>} : memref<256x256xf32, #tpu.memory_space<vmem>>, vector<256x256xf32>,
      %get3A_1082 = arith.constant 0 : index
      %get3A_1083 = arith.constant 0 : index
      %get3A_1084 = vector.load %arg8[%get3A_1082, %get3A_1083] : memref<256x256xf32, #tpu.memory_space<vmem>>, vector<256x256xf32>
      %add3A_1085 = arith.addf %get3A_1084, %add3A_1063 : vector<256x256xf32>
      %swap3A_1086 = arith.constant 0 : index
      %swap3A_1087 = arith.constant 0 : index
      %swap3A_1088 = vector.load %arg8[%swap3A_1086, %swap3A_1087] : memref<256x256xf32, #tpu.memory_space<vmem>>, vector<256x256xf32>
      tpu.vector_store %arg8[%swap3A_1086, %swap3A_1087], %add3A_1085 {strides = array<i32>} : memref<256x256xf32, #tpu.memory_space<vmem>>, vector<256x256xf32>,
    } else {
    }
    %eq3A_1071 = arith.constant 1 : i32
    %eq3A_1072 = arith.cmpi eq, %arg0, %eq3A_1071 : i32
    %convert_element_type3A_1073 = arith.extui %eq3A_1072 : i1 to i32
    %cond3A_1074 = arith.constant 0 : i32
    %cond3A_1075 = arith.cmpi ne, %convert_element_type3A_1073, %cond3A_1074 : i32
    scf.if %cond3A_1075 {
      %get3A_1076 = arith.constant 0 : index
      %get3A_1077 = arith.constant 0 : index
      %get3A_1078 = vector.load %arg4[%get3A_1076, %get3A_1077] : memref<8x384xf32, #tpu.memory_space<vmem>>, vector<8x384xf32>
      %slice3A = vector.extract_strided_slice %get3A_1078 {offsets = [0, 0], sizes = [1, 384], strides = [1, 1]} : vector<8x384xf32> to vector<1x384xf32>
      %slice3A_1079 = vector.extract_strided_slice %get3A_1078 {offsets = [1, 0], sizes = [1, 384], strides = [1, 1]} : vector<8x384xf32> to vector<1x384xf32>
      %slice3A_1080 = vector.extract_strided_slice %get3A_1078 {offsets = [2, 0], sizes = [1, 384], strides = [1, 1]} : vector<8x384xf32> to vector<1x384xf32>
      %slice3A_1081 = vector.extract_strided_slice %get3A_1078 {offsets = [3, 0], sizes = [1, 384], strides = [1, 1]} : vector<8x384xf32> to vector<1x384xf32>
      %mul3A_1082 = arith.constant 9.99999974E-5 : f32
      %mul3A_1083 = vector.broadcast %mul3A_1082 : f32 to vector<1x384xf32>
      %mul3A_1084 = arith.mulf %mul3A_1083, %slice3A_1081 : vector<1x384xf32>
      %div3A_1085 = arith.divf %mul3A_1084, %slice3A_1080 : vector<1x384xf32>
      %add3A_1086 = arith.addf %slice3A, %slice3A_1079 : vector<1x384xf32>
      %min3A_1087 = vector.broadcast %add3A_1086 : vector<1x384xf32> to vector<256x384xf32>
      %min3A_1088 = vector.broadcast %add3A_3 : vector<256x1xf32> to vector<256x384xf32>
      %min3A_1089 = arith.minimumf %min3A_1087, %min3A_1088 : vector<256x384xf32>
      %max3A_1090 = vector.broadcast %slice3A : vector<1x384xf32> to vector<256x384xf32>
      %max3A_1091 = vector.broadcast %mul3A_1 : vector<256x1xf32> to vector<256x384xf32>
      %max3A_1092 = arith.maximumf %max3A_1090, %max3A_1091 : vector<256x384xf32>
      %sub3A_1093 = arith.subf %min3A_1089, %max3A_1092 : vector<256x384xf32>
      %jit3A_1094 = arith.constant 0.000000e+00 : f32
      %max3A_1095 = vector.broadcast %jit3A_1094 : f32 to vector<256x384xf32>
      %max3A_1096 = arith.maximumf %max3A_1095, %sub3A_1093 : vector<256x384xf32>
      %get3A_1097 = arith.constant 0 : index
      %get3A_1098 = arith.constant 0 : index
      %get3A_1099 = vector.load %arg5[%get3A_1097, %get3A_1098] : memref<8x384xf32, #tpu.memory_space<vmem>>, vector<8x384xf32>
      %slice3A_1100 = vector.extract_strided_slice %get3A_1099 {offsets = [0, 0], sizes = [1, 384], strides = [1, 1]} : vector<8x384xf32> to vector<1x384xf32>
      %slice3A_1101 = vector.extract_strided_slice %get3A_1099 {offsets = [1, 0], sizes = [1, 384], strides = [1, 1]} : vector<8x384xf32> to vector<1x384xf32>
      %add3A_1102 = arith.addf %slice3A_1100, %slice3A_1101 : vector<1x384xf32>
      %min3A_1103 = vector.broadcast %add3A_1102 : vector<1x384xf32> to vector<256x384xf32>
      %min3A_1104 = vector.broadcast %add3A_3 : vector<256x1xf32> to vector<256x384xf32>
      %min3A_1105 = arith.minimumf %min3A_1103, %min3A_1104 : vector<256x384xf32>
      %max3A_1106 = vector.broadcast %slice3A_1100 : vector<1x384xf32> to vector<256x384xf32>
      %max3A_1107 = vector.broadcast %mul3A_1 : vector<256x1xf32> to vector<256x384xf32>
      %max3A_1108 = arith.maximumf %max3A_1106, %max3A_1107 : vector<256x384xf32>
      %sub3A_1109 = arith.subf %min3A_1105, %max3A_1108 : vector<256x384xf32>
      %jit3A_1110 = arith.constant 0.000000e+00 : f32
      %max3A_1111 = vector.broadcast %jit3A_1110 : f32 to vector<256x384xf32>
      %max3A_1112 = arith.maximumf %max3A_1111, %sub3A_1109 : vector<256x384xf32>
      %mul3A_1113 = vector.broadcast %div3A_1085 : vector<1x384xf32> to vector<256x384xf32>
      %mul3A_1114 = arith.mulf %max3A_1096, %mul3A_1113 : vector<256x384xf32>
      %dot_general3A_1115 = arith.constant dense<0.000000e+00> : vector<256x256xf32>
      %dot_general3A_1116 = tpu.matmul %mul3A_1114, %max3A_1112, %dot_general3A_1115 {dimension_numbers = #tpu.dot_dimension_numbers<[1], [1], [0], [0], [0, 0, 1, 0], [], []>, transpose_lhs_hint = false} : vector<256x384xf32>, vector<256x384xf32>, vector<256x256xf32> -> vector<256x256xf32>
      %sub3A_1117 = arith.constant 0.457763672 : f32
      %sub3A_1118 = vector.broadcast %sub3A_1117 : f32 to vector<256x256xf32>
      %sub3A_1119 = arith.subf %sub3A_1118, %dot_general3A_1116 : vector<256x256xf32>
      %get3A_1120 = arith.constant 0 : index
      %get3A_1121 = arith.constant 0 : index
      %get3A_1122 = vector.load %arg7[%get3A_1120, %get3A_1121] : memref<256x256xf32, #tpu.memory_space<vmem>>, vector<256x256xf32>
      %div3A_1123 = arith.divf %get3A_1122, %sub3A_1119 : vector<256x256xf32>
      %get3A_1124 = arith.constant 0 : index
      %get3A_1125 = arith.constant 0 : index
      %get3A_1126 = vector.load %arg8[%get3A_1124, %get3A_1125] : memref<256x256xf32, #tpu.memory_space<vmem>>, vector<256x256xf32>
      %div3A_1127 = arith.divf %get3A_1126, %sub3A_1119 : vector<256x256xf32>
      %iota3A_1128 = tpu.iota {dimensions = array<i32: 0>} : vector<256x256xi32>
      %iota3A_1129 = tpu.iota {dimensions = array<i32: 1>} : vector<256x256xi32>
      %eq3A_1130 = arith.cmpi eq, %iota3A_1128, %iota3A_1129 : vector<256x256xi32>
      %jit3A_1131 = arith.constant 0.333767503 : f32
      %jit3A_1132 = arith.constant 0.000000e+00 : f32
      %broadcast_in_dim3A_1133 = vector.broadcast %jit3A_1131 : f32 to vector<256x256xf32>
      %broadcast_in_dim3A_1134 = vector.broadcast %jit3A_1132 : f32 to vector<256x256xf32>
      %select_n3A = arith.select %eq3A_1130, %broadcast_in_dim3A_1133, %broadcast_in_dim3A_1134 : vector<256x256xi1>, vector<256x256xf32>
      %sub3A_1135 = arith.subi %iota3A_1128, %iota3A_1129 : vector<256x256xi32>
      %abs3A = math.absi %sub3A_1135 : vector<256x256xi32>
      %eq3A_1136 = arith.constant 1 : i32
      %eq3A_1137 = vector.broadcast %eq3A_1136 : i32 to vector<256x256xi32>
      %eq3A_1138 = arith.cmpi eq, %abs3A, %eq3A_1137 : vector<256x256xi32>
      %jit3A_1139 = arith.constant 0.333116263 : f32
      %jit3A_1140 = arith.constant 0.000000e+00 : f32
      %broadcast_in_dim3A_1141 = vector.broadcast %jit3A_1139 : f32 to vector<256x256xf32>
      %broadcast_in_dim3A_1142 = vector.broadcast %jit3A_1140 : f32 to vector<256x256xf32>
      %select_n3A_1143 = arith.select %eq3A_1138, %broadcast_in_dim3A_1141, %broadcast_in_dim3A_1142 : vector<256x256xi1>, vector<256x256xf32>
      %add3A_1144 = arith.addf %select_n3A, %select_n3A_1143 : vector<256x256xf32>
      %eq3A_1145 = arith.constant 0 : i32
      %eq3A_1146 = vector.broadcast %eq3A_1145 : i32 to vector<256x256xi32>
      %eq3A_1147 = arith.cmpi eq, %iota3A_1128, %eq3A_1146 : vector<256x256xi32>
      %eq3A_1148 = arith.constant 1 : i32
      %eq3A_1149 = vector.broadcast %eq3A_1148 : i32 to vector<256x256xi32>
      %eq3A_1150 = arith.cmpi eq, %iota3A_1129, %eq3A_1149 : vector<256x256xi32>
      %and3A = arith.andi %eq3A_1147, %eq3A_1150 : vector<256x256xi1>
      %jit3A_1151 = arith.constant 0.333116263 : f32
      %jit3A_1152 = arith.constant 0.000000e+00 : f32
      %broadcast_in_dim3A_1153 = vector.broadcast %jit3A_1151 : f32 to vector<256x256xf32>
      %broadcast_in_dim3A_1154 = vector.broadcast %jit3A_1152 : f32 to vector<256x256xf32>
      %select_n3A_1155 = arith.select %and3A, %broadcast_in_dim3A_1153, %broadcast_in_dim3A_1154 : vector<256x256xi1>, vector<256x256xf32>
      %add3A_1156 = arith.addf %add3A_1144, %select_n3A_1155 : vector<256x256xf32>
      %eq3A_1157 = arith.constant 255 : i32
      %eq3A_1158 = vector.broadcast %eq3A_1157 : i32 to vector<256x256xi32>
      %eq3A_1159 = arith.cmpi eq, %iota3A_1128, %eq3A_1158 : vector<256x256xi32>
      %eq3A_1160 = arith.constant 254 : i32
      %eq3A_1161 = vector.broadcast %eq3A_1160 : i32 to vector<256x256xi32>
      %eq3A_1162 = arith.cmpi eq, %iota3A_1129, %eq3A_1161 : vector<256x256xi32>
      %and3A_1163 = arith.andi %eq3A_1159, %eq3A_1162 : vector<256x256xi1>
      %jit3A_1164 = arith.constant 0.333116263 : f32
      %jit3A_1165 = arith.constant 0.000000e+00 : f32
      %broadcast_in_dim3A_1166 = vector.broadcast %jit3A_1164 : f32 to vector<256x256xf32>
      %broadcast_in_dim3A_1167 = vector.broadcast %jit3A_1165 : f32 to vector<256x256xf32>
      %select_n3A_1168 = arith.select %and3A_1163, %broadcast_in_dim3A_1166, %broadcast_in_dim3A_1167 : vector<256x256xi1>, vector<256x256xf32>
      %add3A_1169 = arith.addf %add3A_1156, %select_n3A_1168 : vector<256x256xf32>
      %eq3A_1170 = arith.constant 1 : i32
      %eq3A_1171 = vector.broadcast %eq3A_1170 : i32 to vector<256x256xi32>
      %eq3A_1172 = arith.cmpi eq, %iota3A_1128, %eq3A_1171 : vector<256x256xi32>
      %eq3A_1173 = arith.constant 0 : i32
      %eq3A_1174 = vector.broadcast %eq3A_1173 : i32 to vector<256x256xi32>
      %eq3A_1175 = arith.cmpi eq, %iota3A_1129, %eq3A_1174 : vector<256x256xi32>
      %and3A_1176 = arith.andi %eq3A_1172, %eq3A_1175 : vector<256x256xi1>
      %jit3A_1177 = arith.constant 0.333116263 : f32
      %jit3A_1178 = arith.constant 0.000000e+00 : f32
      %broadcast_in_dim3A_1179 = vector.broadcast %jit3A_1177 : f32 to vector<256x256xf32>
      %broadcast_in_dim3A_1180 = vector.broadcast %jit3A_1178 : f32 to vector<256x256xf32>
      %select_n3A_1181 = arith.select %and3A_1176, %broadcast_in_dim3A_1179, %broadcast_in_dim3A_1180 : vector<256x256xi1>, vector<256x256xf32>
      %add3A_1182 = arith.addf %add3A_1144, %select_n3A_1181 : vector<256x256xf32>
      %eq3A_1183 = arith.constant 254 : i32
      %eq3A_1184 = vector.broadcast %eq3A_1183 : i32 to vector<256x256xi32>
      %eq3A_1185 = arith.cmpi eq, %iota3A_1128, %eq3A_1184 : vector<256x256xi32>
      %eq3A_1186 = arith.constant 255 : i32
      %eq3A_1187 = vector.broadcast %eq3A_1186 : i32 to vector<256x256xi32>
      %eq3A_1188 = arith.cmpi eq, %iota3A_1129, %eq3A_1187 : vector<256x256xi32>
      %and3A_1189 = arith.andi %eq3A_1185, %eq3A_1188 : vector<256x256xi1>
      %jit3A_1190 = arith.constant 0.333116263 : f32
      %jit3A_1191 = arith.constant 0.000000e+00 : f32
      %broadcast_in_dim3A_1192 = vector.broadcast %jit3A_1190 : f32 to vector<256x256xf32>
      %broadcast_in_dim3A_1193 = vector.broadcast %jit3A_1191 : f32 to vector<256x256xf32>
      %select_n3A_1194 = arith.select %and3A_1189, %broadcast_in_dim3A_1192, %broadcast_in_dim3A_1193 : vector<256x256xi1>, vector<256x256xf32>
      %add3A_1195 = arith.addf %add3A_1182, %select_n3A_1194 : vector<256x256xf32>
      %dot_general3A_1196 = arith.constant dense<0.000000e+00> : vector<256x256xf32>
      %dot_general3A_1197 = tpu.matmul %add3A_1169, %div3A_1123, %dot_general3A_1196 {dimension_numbers = #tpu.dot_dimension_numbers<[1], [0], [0], [1], [0, 0, 1, 1], [], []>, transpose_lhs_hint = false} : vector<256x256xf32>, vector<256x256xf32>, vector<256x256xf32> -> vector<256x256xf32>
      %dot_general3A_1198 = arith.constant dense<0.000000e+00> : vector<256x256xf32>
      %dot_general3A_1199 = tpu.matmul %dot_general3A_1197, %add3A_1195, %dot_general3A_1198 {dimension_numbers = #tpu.dot_dimension_numbers<[1], [0], [0], [1], [0, 0, 1, 1], [], []>, transpose_lhs_hint = false} : vector<256x256xf32>, vector<256x256xf32>, vector<256x256xf32> -> vector<256x256xf32>
      %abs3A_1200 = math.absf %dot_general3A_1199 : vector<256x256xf32>
      %dot_general3A_1201 = arith.constant dense<0.000000e+00> : vector<256x256xf32>
      %dot_general3A_1202 = tpu.matmul %add3A_1169, %div3A_1127, %dot_general3A_1201 {dimension_numbers = #tpu.dot_dimension_numbers<[1], [0], [0], [1], [0, 0, 1, 1], [], []>, transpose_lhs_hint = false} : vector<256x256xf32>, vector<256x256xf32>, vector<256x256xf32> -> vector<256x256xf32>
      %dot_general3A_1203 = arith.constant dense<0.000000e+00> : vector<256x256xf32>
      %dot_general3A_1204 = tpu.matmul %dot_general3A_1202, %add3A_1195, %dot_general3A_1203 {dimension_numbers = #tpu.dot_dimension_numbers<[1], [0], [0], [1], [0, 0, 1, 1], [], []>, transpose_lhs_hint = false} : vector<256x256xf32>, vector<256x256xf32>, vector<256x256xf32> -> vector<256x256xf32>
      %abs3A_1205 = math.absf %dot_general3A_1204 : vector<256x256xf32>
      %max3A_1206 = arith.maximumf %abs3A_1200, %abs3A_1205 : vector<256x256xf32>
      %swap3A = arith.constant 0 : index
      %swap3A_1207 = arith.constant 0 : index
      %swap3A_1208 = vector.load %arg6[%swap3A, %swap3A_1207] : memref<256x256xf32, #tpu.memory_space<vmem>>, vector<256x256xf32>
      tpu.vector_store %arg6[%swap3A, %swap3A_1207], %max3A_1206 {strides = array<i32>} : memref<256x256xf32, #tpu.memory_space<vmem>>, vector<256x256xf32>,
    } else {
    }
    return
  }
  func.func @transform_0(%arg0: i32) -> (i32, i32, i32) {
    %c0_i32 = arith.constant 0 : i32
    %c0_i32_0 = arith.constant 0 : i32
    %c0_i32_1 = arith.constant 0 : i32
    return %arg0, %c0_i32, %c0_i32_0 : i32, i32, i32
  }
  func.func @transform_1(%arg0: i32) -> (i32, i32, i32) {
    %c0_i32 = arith.constant 0 : i32
    %c0_i32_0 = arith.constant 0 : i32
    %c0_i32_1 = arith.constant 0 : i32
    return %arg0, %c0_i32, %c0_i32_0 : i32, i32, i32
  }
  func.func @transform_2(%arg0: i32) -> (i32, i32, i32) {
    %c0_i32 = arith.constant 0 : i32
    %c0_i32_0 = arith.constant 0 : i32
    %c0_i32_1 = arith.constant 0 : i32
    return %arg0, %c0_i32, %c0_i32_0 : i32, i32, i32
  }
  func.func @transform_3(%arg0: i32) -> (i32, i32) {
    %c0_i32 = arith.constant 0 : i32
    %c0_i32_0 = arith.constant 0 : i32
    %c0_i32_1 = arith.constant 0 : i32
    return %c0_i32, %c0_i32_0 : i32, i32
  }
  func.func @transform_4(%arg0: i32) -> (i32, i32) {
    %c0_i32 = arith.constant 0 : i32
    %c0_i32_0 = arith.constant 0 : i32
    %c0_i32_1 = arith.constant 0 : i32
    return %c0_i32, %c0_i32_0 : i32, i32
  }
  func.func @transform_5(%arg0: i32) -> (i32, i32) {
    %c0_i32 = arith.constant 0 : i32
    %c0_i32_0 = arith.constant 0 : i32
    %c0_i32_1 = arith.constant 0 : i32
    return %c0_i32, %c0_i32_0 : i32, i32
  }
}

</mosaic_0001>

<sc_bundles>
// kernel: kernel.4.cloned.1.call-start
scs
__scs_entry_jumppad:
0x0: {  	(pc) =	sbr.rel $0x88, $3  }
0x1: {  	(tag) =	ssettag $0x0;
	lr =	simm.s32 $0x1  }
0x2: {  	[smem:$0x3F99] =	sst lr;
	_ =	strace $0xD0000000  }
0x3: {  	_ = 	snop  }
0x4: {  	_ = 	snop  }
0x5: {  	_ = 	snop  }
0x6: {  	_ = 	snop  }
0x7: {  	_ = 	snop  }
__scs_overlays_trampoline_lowered:
0x8: {  	[smem:$0x3FA8] =	sst s0  }
0x9: {  	[smem:$0x3FA9] =	sst s1  }
0xa: {  	[smem:$0x3FAA] =	sst s2  }
0xb: {  	[smem:$0x3FAB] =	sst s3  }
0xc: {  	[smem:$0x3FAC] =	sst s4  }
0xd: {  	[smem:$0x3FAD] =	sst s5  }
0xe: {  	[smem:$0x3FAE] =	sst s6  }
0xf: {  	[smem:$0x3FAF] =	sst s7  }
0x10: {  	[smem:$0x3FB0] =	sst s8  }
0x11: {  	[smem:$0x3FB1] =	sst s9;
	s0 =	simm.s32 @!p0 $0x0  }
0x12: {  	s1 =	sld [smem:$0x3F97];
	s0 =	simm.s32 @p0 $0x1  }
0x13: {  	[smem:$0x3FB2] =	sst s0;
	s0 =	simm.s32 @!p1 $0x0  }
0x14: {  	s2 =	sld [smem:$0x3F96];
	s0 =	simm.s32 @p1 $0x1  }
0x15: {  	[smem:$0x3FB3] =	sst s0;
	s0 =	simm.s32 @!p2 $0x0  }
0x16: {  	s3 =	sld [smem:$0x3FDB];
	s0 =	simm.s32 @p2 $0x1  }
0x17: {  	s4 =	simm.s32 $0x1BF5;
	[smem:$0x3FB5] =	sst s0  }
0x18: {  	s0 =	sld [smem:$0x3F98];
	_ =	swait.ge [sflag:s4], $0x0  }
0x19: {  	s7 =	sld [smem:$0x3F99]  }
0x1a: {  	s8 =	sadd.s32 $0xFFFFE003, lr  }
0x1b: {  	s9 =	sadd.s32 $0xFFFFFEF7, lr;
	s5 =	simm.s32 $0xFFFFFFFF;
	p2 =	slt.u32 s8, $0xFFFFF086  }
0x1c: {  	p1 =	slt.u32 s9, $0xF7A;
	s5 =	simm.s32 @!p2 $0x0  }
0x1d: {  	s5 =	simm.s32 @p1 $0x1;
	p0 =	seq.s32 s7, s2  }
0x1e: {  	s7 =	smul.u32 @!p0 $0xF7A, s2;
	p2 =	seq.s32 @!p0 s5, $0x0  }
0x1f: {  	s9 =	smul.u32 $0xF7A, s1;
	s8 =	simm.s32 @!p0 $0x1BF5;
	p2 =	por !p2, p0  }
0x20: {  	[sflag:s8] =	ssyncset.s32 @!p0 $0xFFFFF086;
	s6 =	sadd.s32 @!p0 s3, s7;
	s7 =	simm.s32 @!p0 $0x108  }
0x21: {  	s3 =	sadd.s32 s3, s9;
	s6 =	sadd.s32 @!p0 $0x88, s6;
	s7 =	simm.s32 @p2 $0x1082  }
0x22: {  	[simem:s7], [sflag:s8] =	dma.local @!p0 [hbm:s6], $0xF7A  }
0x23: {  	s9 =	sor.u32 $0xD0000000, s2;
	s6 =	simm.s32 $0x108;
	_ =	swait.ge @!p0 [sflag:s8], $0x0  }
0x24: {  	s3 =	sadd.s32 $0x88, s3;
	s6 =	simm.s32 @!p1 $0x1082;
	[sflag:s4] =	ssyncset.s32 $0xFFFFF086  }
0x25: {  	[simem:s6], [sflag:s4] =	dma.local [hbm:s3], $0xF7A  }
0x26: {  	[smem:$0x3F99] =	sst s1;
	(tag) =	ssettag s2;
	_ =	strace s9  }
0x27: {  	s1 =	sld [smem:$0x3FA9]  }
0x28: {  	s2 =	sld [smem:$0x3FAA]  }
0x29: {  	s4 =	sld [smem:$0x3FAC]  }
0x2a: {  	p0 =	seq.s32 s5, $0x0;
	s5 =	sld [smem:$0x3FAD]  }
0x2b: {  	s6 =	sld [smem:$0x3FAE]  }
0x2c: {  	s7 =	sld [smem:$0x3FAF]  }
0x2d: {  	s3 =	simm.s32 $0x108;
	s8 =	sld [smem:$0x3FB0]  }
0x2e: {  	s3 =	simm.s32 @!p0 $0x1082;
	s9 =	sld [smem:$0x3FB1]  }
0x2f: {  	lr =	sadd.s32 s0, s3;
	s0 =	sld [smem:$0x3FA8]  }
0x30: {  	s3 =	sld [smem:$0x3FAB]  }
0x31: {  	[smem:$0x3FB4] =	sst s10  }
0x32: {  	s10 =	sld [smem:$0x3FB2];
	_ =	sdelay $0x3  }
0x33: {  	p0 =	seq.s32 s10, $0x1;
	s10 =	sld [smem:$0x3FB4];
	_ =	sdelay $0x3  }
0x34: {  	[smem:$0x3FB4] =	sst s10  }
0x35: {  	s10 =	sld [smem:$0x3FB3];
	_ =	sdelay $0x3  }
0x36: {  	p1 =	seq.s32 s10, $0x1;
	s10 =	sld [smem:$0x3FB4];
	_ =	sdelay $0x3  }
0x37: {  	[smem:$0x3FB4] =	sst s10  }
0x38: {  	s10 =	sld [smem:$0x3FB5]  }
0x39: {  	_ = 	snop;
	(pc) =	sbr.ind lr, $3  }
0x3a: {  	_ = 	snop  }
0x3b: {  	_ = 	snop  }
0x3c: {  	p2 =	seq.s32 s10, $0x1;
	s10 =	sld [smem:$0x3FB4]  }
0x3d: {  	_ =	shalt  }
0x3e: {  	_ =	shalt  }
0x3f: {  	_ =	shalt  }
0x40: {  	_ =	shalt  }
0x41: {  	_ =	shalt  }
0x42: {  	_ =	shalt  }
0x43: {  	_ =	shalt  }
0x44: {  	_ =	shalt  }
0x45: {  	_ =	shalt  }
0x46: {  	_ =	shalt  }
0x47: {  	_ =	shalt  }
0x48: {  	_ =	shalt  }
0x49: {  	_ =	shalt  }
0x4a: {  	_ =	shalt  }
0x4b: {  	_ =	shalt  }
0x4c: {  	_ =	shalt  }
0x4d: {  	_ =	shalt  }
0x4e: {  	_ =	shalt  }
0x4f: {  	_ =	shalt  }
0x50: {  	_ =	shalt  }
0x51: {  	_ =	shalt  }
0x52: {  	_ =	shalt  }
0x53: {  	_ =	shalt  }
0x54: {  	_ =	shalt  }
0x55: {  	_ =	shalt  }
0x56: {  	_ =	shalt  }
0x57: {  	_ =	shalt  }
0x58: {  	_ =	shalt  }
0x59: {  	_ =	shalt  }
0x5a: {  	_ =	shalt  }
0x5b: {  	_ =	shalt  }
0x5c: {  	_ =	shalt  }
0x5d: {  	_ =	shalt  }
0x5e: {  	_ =	shalt  }
0x5f: {  	_ =	shalt  }
0x60: {  	_ =	shalt  }
0x61: {  	_ =	shalt  }
0x62: {  	_ =	shalt  }
0x63: {  	_ =	shalt  }
0x64: {  	_ =	shalt  }
0x65: {  	_ =	shalt  }
0x66: {  	_ =	shalt  }
0x67: {  	_ =	shalt  }
0x68: {  	_ =	shalt  }
0x69: {  	_ =	shalt  }
0x6a: {  	_ =	shalt  }
0x6b: {  	_ =	shalt  }
0x6c: {  	_ =	shalt  }
0x6d: {  	_ =	shalt  }
0x6e: {  	_ =	shalt  }
0x6f: {  	_ =	shalt  }
0x70: {  	_ =	shalt  }
0x71: {  	_ =	shalt  }
0x72: {  	_ =	shalt  }
0x73: {  	_ =	shalt  }
0x74: {  	_ =	shalt  }
0x75: {  	_ =	shalt  }
0x76: {  	_ =	shalt  }
0x77: {  	_ =	shalt  }
0x78: {  	_ =	shalt  }
0x79: {  	_ =	shalt  }
0x7a: {  	_ =	shalt  }
0x7b: {  	_ =	shalt  }
0x7c: {  	_ =	shalt  }
0x7d: {  	_ =	shalt  }
0x7e: {  	_ =	shalt  }
0x7f: {  	_ =	shalt  }
0x80: {  	_ =	shalt  }
0x81: {  	_ =	shalt  }
0x82: {  	_ =	shalt  }
0x83: {  	_ =	shalt  }
0x84: {  	_ =	shalt  }
0x85: {  	_ =	shalt  }
0x86: {  	_ =	shalt  }
0x87: {  	_ =	shalt  }
.Lfunc_end0:
.L_simem_size_0:
called_computation_lowered:
.L_overlay_start_0:
0x88: {  	s2 =	sld [smem:$0x3FD9]  }
0x89: {  	s3 =	sld [smem:$0x3FFE];
	_ =	sdelay $0x1  }
0x8a: {  	s1 =	srdreg.scid  }
0x8b: {  	s0 =	sand.u32 $0x1, s1  }
0x8c: {  	s16 =	sshll.u32 s0, $0xA;
	s2 =	sadd.s32 s3, s2  }
0x8d: {  	s2 =	sadd.s32 s2, s16  }
0x8e: {  	[smem:$0x3FC0] =	sst s2  }
0x8f: {  	_ = 	snop  }
0x90: {  	(tm) =	ssettm $0x1  }
0x91: {  	s17 =	sld [smem:$0x3FFB];
	_ =	sdelay $0x3  }
0x92: {  	_ =	strace s17  }
0x93: {  	s2 =	sld [smem:$0x3FFC];
	_ =	sdelay $0x3  }
0x94: {  	_ =	strace s2  }
0x95: {  	s2 =	sld [smem:$0x3FFD];
	_ =	sdelay $0x3  }
0x96: {  	_ =	strace s2  }
0x97: {  	_ =	strace $0x8FFFFFFF  }
0x98: {  	s18 =	sld [smem:$0x3FDB];
	_ =	sdelay $0x1  }
0x99: {  	s19 =	simm.s32 $_scs_section_size  }
0x9a: {  	s4 =	simm.s32 $_size__tile_overlayer_lowered;
	s5 =	simm.s32 $_tile_overlayer_lowered  }
0x9b: {  	s22 =	simm.s32 $0x1BFF;
	s21 =	sshll.u32 s5, $0x1;
	s2 =	sadd.s32 s19, s18  }
0x9c: {  	s6 =	simm.s32 $0x0;
	s20 =	sshll.u32 s4, $0x1;
	s4 =	sadd.s32 s21, s2  }
0x9d: {  	[timem:s6], [sflag:s22] =	dma.local [hbm:s4], s20  }
0x9e: {  	_ =	swait.ge [sflag:s22], s20  }
0x9f: {  	s3 =	ssub.s32 $0x0, s20;
	[sflag:s22] =	ssyncset.done $0x0  }
0xa0: {  	[sflag:s22] =	ssyncadd.s32 s3;
	_ =	sdelay $0x1  }
0xa1: {  	s23 =	simm.s32 $0x1B8B  }
0xa2: {  	_ =	swait.ge [sflag:s23], $0x1  }
0xa3: {  	[sflag:s23] =	ssyncset.done $0x0  }
0xa4: {  	s25 =	simm.s32 $0x1B8E;
	s24 =	sld [smem:$0x3FFE];
	[sflag:s23] =	ssyncadd.s32 $0xFFFFFFFF  }
0xa5: {  	s26 =	simm.s32 $execute0_lowered;
	[smem:$0x3FD2] =	sst s25  }
0xa6: {  	s4 =	sshll.u32 s26, $0x1;
	_ =	strace $0x80000046;
	[dreg:$0x1] =	wrdreg $0xFFFFFFFF  }
0xa7: {  	s28 =	simm.s32 $_size_execute0_lowered;
	s2 =	sadd.s32 s2, s4;
	[dreg:$0x0] =	wrdreg $0x0  }
0xa8: {  	s4 =	sshll.u32 s28, $0x1;
	[dreg:$0x2] =	wrdreg s2  }
0xa9: {  	[dreg:$0x3] =	wrdreg s4  }
0xaa: {  	[dreg:$0x4] =	wrdreg $0xC0  }
0xab: {  	_ =	task [dreg:s6], $0x5FFFF  }
0xac: {  	[dreg:$0x1] =	wrdreg $0xFFFFFFFF  }
0xad: {  	[dreg:$0x0] =	wrdreg $0x60  }
0xae: {  	[dreg:$0x2] =	wrdreg s24  }
0xaf: {  	[dreg:$0x3] =	wrdreg $0x4E000  }
0xb0: {  	[dreg:$0x4] =	wrdreg $0x7ED80  }
0xb1: {  	[dreg:$0x5] =	wrdreg $0x9  }
0xb2: {  	_ =	task.clear_ibuf [dreg:s6], $0x6FFFF;
	_ =	strace $0x90000046  }
0xb3: {  	s29 =	simm.s32 $0x9;
	_ =	strace $0x80000048  }
0xb4: {  	_ =	swait.ge [sflag:s29], $0x1  }
0xb5: {  	[sflag:s29] =	ssyncadd.s32 $0xFFFFFFFF  }
0xb6: {  	_ =	strace $0x90000048  }
0xb7: {  	_ =	sfence  }
0xb8: {  	s30 =	sld [smem:$0x0];
	_ =	sdelay $0x2  }
0xb9: {  	s31 =	sshll.u32 s1, $0xD;
	s1 =	sshrl.u32 s1, $0x2  }
0xba: {  	s3 =	sand.u32 $0x4000, s31;
	s1 =	sadd.s32 s1, s30  }
0xbb: {  	s0 =	sor.u32 s3, s0;
	s1 =	sshll.u32 s1, $0x11  }
0xbc: {  	s0 =	sor.u32 s1, s0  }
0xbd: {  	s0 =	sadd.s32 $0x8F2B, s0  }
0xbe: {  	[sflag:s0] =	ssyncadd.remote.s32 $0x1  }
0xbf: {  	_ =	sfence.sel $0xFFFF  }
0xc0: {  	[dreg:$0x0] =	wrdreg $0xFFFFFFFF;
	(pc) =	sbr.abs _section_cstart, $3  }
0xc1: {  	[dreg:$0x1] =	wrdreg $0xFFFFFFFF  }
0xc2: {  	_ =	task.clear_ibuf [dreg:s6], $0x2FFFF;
	_ =	strace $0x9FFFFFFF  }
0xc3: {  	(tm) =	ssettm $0x7FFFFFFF  }
tec
execute0_lowered:
.L_overlay_start_1:
0x0: {  	(tag) =	ssettag $0x1  }
0x1: {  	s6 =	rddreg [dreg:$0x0]  }
0x2: {  	s0 =	rddreg [dreg:$0x1]  }
0x3: {  	s1 =	rddreg [dreg:$0x2]  }
0x4: {  	s2 =	srdreg.scid;
	s21 =	stileid.u32  }
0x5: {  	s10 =	simm.s32 $0x80;
	s11 =	simm.s32 $0x400;
	s12 =	simm.s32 $0x3  }
0x6: {  	s14 =	simm.s32 $0x1;
	s15 =	simm.s32 $0x10;
	s16 =	simm.s32 $0x20  }
0x7: {  	s17 =	simm.s32 $0x1C43;
	s18 =	simm.s32 $0x1A00;
	s19 =	simm.s32 $0x3400  }
0x8: {  	s20 =	simm.s32 $0x2;
	s22 =	simm.s32 $0x1C03;
	s4 =	sand.u32 $0x1, s2  }
0x9: {  	s28 =	sshrl.u32 s21, $0x2;
	s3 =	sshll.u32 s21, $0x8;
	s2 =	rddreg [dreg:$0x3]  }
0xa: {  	p0 =	seq.s32 s21, $0x1;
	s13 =	sshrl.u32 s1, $0x3;
	p1 =	sne.s32 s21, $0x0  }
0xb: {  	s21 =	sshrl.u32 s0, $0x3;
	s5 =	smul.u32 $0xD000, s28;
	s7 =	sshll.u32 s4, $0x7  }
0xc: {  	s8 =	sand.u32 $0x300, s3;
	s3 =	simm.s32 $0x0;
	s29 =	ssub.s32 $0x2, s4  }
.Ltmp0:
0xd: {  	s4 =	sadd.s32 $0x8A00, s6;
	s7 =	sor.u32 s7, s8;
	(pc) =	sbr.rel .LBB2_1-.Ltmp0, $4  }
0xe: {  	[smem:$0x7FF] =	sst s3;
	s31 =	sshrl.u32 s29, $0x1;
	s5 =	sor.u32 s5, s7  }
0xf: {  	_ =	strace $0x80000047;
	s9 =	ssub.s32 s29, s31;
	s5 =	sshrl.u32 s5, $0x3  }
0x10: {  	s9 =	smax.u32 s9, $0x1;
	s30 =	sadd.s32 s5, s6;
	s6 =	sadd.s32 $0x8A10, s6  }
0x11: {  	s5 =	sadd.s32 $0x2200, s30;
	s7 =	sadd.s32 $0x14E00, s30;
	s8 =	sadd.s32 $0x1B600, s30  }
.LBB2_4:
0x12: {  	[spmem:s13@s15], [sflag:s17] =	dma.strided [hbm:s6@s16], $0x61B0, s14, $0x10   }
.LBB2_5:
0x13: {  	_ =	swait.ge [sflag:s12], $0x61B0  }
0x14: {  	[sflag:s12] =	ssyncset.done $0x0  }
0x15: {  	[sflag:s12] =	ssyncadd.s32 $0xFFFF9E50  }
.LBB2_6:
0x16: {  	[bflag:$0x0] =	sbarrier.arrive $0xFFFF  }
0x17: {  	[tilespmem:s18], [sflag:$0x1] =	stream.indirect.gather [spmem:s0], $0x1, s3, s18, $0xb8;
	[tilespmem:$0xAFB0] =	vst v63  }
0x18: {  	_ = 	snop  }
0x19: {  	[tilespmem:s19], [sflag:$0x2] =	stream.indirect.gather [spmem:s1], $0x1, s3, s18, $0xb8;
	[tilespmem:$0xAFB0] =	vst v63  }
0x1a: {  	_ =	swait.ge [sflag:s14], $0x1A00  }
0x1b: {  	[sflag:s14] =	ssyncset.done $0x0  }
0x1c: {  	[sflag:s14] =	ssyncadd.s32 $0xFFFFE600  }
0x1d: {  	_ =	swait.ge [sflag:s20], $0x1A00  }
0x1e: {  	[sflag:s20] =	ssyncset.done $0x0  }
0x1f: {  	[sflag:s20] =	ssyncadd.s32 $0xFFFFE600  }
0x20: {  	[hbm4b:s7+s10] =	stream.strided.scatter [tilespmem:s18], [sflag:$0x3], $0x1A00, s11, s10, $0x38;
	[tilespmem:$0xAFB0] =	vst v63  }
0x21: {  	s9 =	sadd.s32 $0xFFFFFFFF, s9;
	_ =	swait.ge [sflag:s12], $0x1A00  }
0x22: {  	p2 =	sne.s32 s9, $0x0;
	[sflag:s12] =	ssyncset.done $0x0  }
.Ltmp1:
0x23: {  	[sflag:s12] =	ssyncadd.s32 $0xFFFFE600;
	(pc) =	sbr.rel @!p2 .LBB2_7-.Ltmp1, $4  }
0x24: {  	[hbm4b:s8+s10] =	stream.strided.scatter [tilespmem:s19], [sflag:$0x3], $0x1A00, s11, s10, $0x38;
	[tilespmem:$0xAFB0] =	vst v63  }
0x25: {  	_ =	swait.ge [sflag:s12], $0x1A00  }
0x26: {  	[sflag:s12] =	ssyncset.done $0x0  }
0x27: {  	[sflag:s12] =	ssyncadd.s32 $0xFFFFE600  }
.LBB2_1:
.Ltmp2:
0x28: {  	(pc) =	sbr.rel @p0 .LBB2_4-.Ltmp2, $4  }
0x29: {  	[tilespmem:s3], [sflag:$0x3] =	stream.strided.gather [hbm4b:s5+s10], $0x1A00, s11, s10, $0x38;
	[tilespmem:$0xAFB0] =	vst v63  }
0x2a: {  	_ =	swait.ge [sflag:s12], $0x1A00  }
0x2b: {  	[sflag:s12] =	ssyncset.done $0x0  }
0x2c: {  	[sflag:s12] =	ssyncadd.s32 $0xFFFFE600  }
.Ltmp3:
0x2d: {  	(pc) =	sbr.rel @p1 .LBB2_6-.Ltmp3, $1  }
0x2e: {  	_ =	sdelay $0x3  }
.Ltmp4:
0x2f: {  	(pc) =	sbr.rel .LBB2_5-.Ltmp4, $2  }
0x30: {  	_ =	sdelay $0x2  }
0x31: {  	[spmem:s21@s15], [sflag:s22] =	dma.strided [hbm:s4@s16], $0x61B0, s14, $0x10   }
.LBB2_7:
0x32: {  	_ =	sfence.sel $0x180000  }
0x33: {  	[bflag:$0x0] =	sbarrier.arrive $0xFFFF  }
0x34: {  	_ =	strace $0x90000047  }
0x35: {  	s0 =	sadd.s32 @!p1 $0x100000, s2;
	[bflag:$0x2] =	sbarrier.arrive $0xFFFF  }
0x36: {  	[sflag:s0] =	ssyncadd.tile.s32 @!p1 $0x1;
	_ =	shalt  }
.Lfunc_end2:
_tile_overlayer_lowered:
.L_overlay_start_2:
0x37: {  	(tag) =	ssettag $0x2  }
0x38: {  	s0 =	rddreg [dreg:$0x0];
	s2 =	stileid.u32  }
0x39: {  	s1 =	rddreg [dreg:$0x1];
	p0 =	sne.s32 s2, $0x0  }
0x3a: {  	s3 =	rddreg [dreg:$0x2];
	[bflag:$0x3] =	sbarrier.arrive $0xFFFF;
	s2 =	simm.s32 @!p0 $0x1C03  }
0x3b: {  	[timem:s3], [sflag:s2] =	dma.local @!p0 [hbm:s0], s1  }
0x3c: {  	s0 =	simm.s32 @!p0 $0x3  }
0x3d: {  	_ =	swait.ge @!p0 [sflag:s0], s1  }
0x3e: {  	s1 =	ssub.s32 @!p0 $0x0, s1;
	[sflag:s0] =	ssyncset.done @!p0 $0x0  }
0x3f: {  	[sflag:s0] =	ssyncadd.s32 @!p0 s1  }
0x40: {  	[bflag:$0x3] =	sbarrier.arrive $0xFFFF  }
0x41: {  	_ =	shalt  }

</sc_bundles>
